<compile_context>
chip_gen: v7x
topology: tpu7x:2x2x1
jax: 0.10.2.dev20260603
libtpu: 0.0.44.dev20260713+nightly
codegen_flags: <defaults>
</compile_context>

<pallas_src>
import functools

import jax
import jax.numpy as jnp
from jax import lax
from jax.experimental import pallas as pl
from jax.experimental.pallas import tpu as pltpu
from jax.experimental.pallas import tpu_sc as plsc

NC = 2
NS = 16
NW = NC * NS

GW = 128
K = 8
CH = K * GW
NBUF = 2


@functools.partial(jax.jit, static_argnums=(2, 3))
def _embedding_gather(tokens_flat, table, b_per_w, n_chunks):
    B = tokens_flat.shape[0]
    D = table.shape[1]

    mesh = plsc.VectorSubcoreMesh(core_axis_name="c", subcore_axis_name="s")

    @functools.partial(
        pl.kernel,
        out_type=jax.ShapeDtypeStruct((B, D), jnp.float32),
        mesh=mesh,
        scratch_types=[
            pltpu.VMEM((NBUF, CH), jnp.int32),
            pltpu.VMEM((NBUF, CH, D), jnp.float32),
            pltpu.SemaphoreType.DMA((NBUF,)),
            pltpu.SemaphoreType.DMA((NBUF,)),
            pltpu.SemaphoreType.DMA((NBUF,)),
        ],
        compiler_params=pltpu.CompilerParams(
            use_tc_tiling_on_sc=False, needs_layout_passes=False
        ),
    )
    def k(tok_hbm, table_hbm, out_hbm, idx_v, rows_v, sem_i, sem_g, sem_o):
        wid = lax.axis_index("s") * NC + lax.axis_index("c")
        base = wid * b_per_w
        n = n_chunks

        def idx_copy(c, b):
            return pltpu.make_async_copy(
                tok_hbm.at[pl.ds(base + c * CH, CH)], idx_v.at[b], sem_i.at[b]
            )

        def out_copy(c, b):
            return pltpu.make_async_copy(
                rows_v.at[b], out_hbm.at[pl.ds(base + c * CH, CH)], sem_o.at[b]
            )

        def gather(j, b):
            return pltpu.make_async_copy(
                table_hbm.at[idx_v.at[b].at[pl.ds(j * GW, GW)]],
                rows_v.at[b].at[pl.ds(j * GW, GW)],
                sem_g.at[b],
            )

        idx_copy(0, 0).start()
        idx_copy(1, 1).start()
        idx_copy(0, 0).wait()
        for j in range(K):
            gather(j, 0).start()

        def body(it, carry):
            for b in range(NBUF):
                c = 2 * it + b

                @pl.when(c + 1 < n)
                def _():
                    idx_copy(c + 1, 1 - b).wait()

                    @pl.when(c >= 1)
                    def _():
                        out_copy(c - 1, 1 - b).wait()

                    for j in range(K):
                        gather(j, 1 - b).start()

                for j in range(K):
                    gather(j, b).wait()
                out_copy(c, b).start()

                @pl.when(c + 2 < n)
                def _():
                    idx_copy(c + 2, b).start()

            return carry

        lax.fori_loop(0, n // 2, body, 0)

        out_copy(n - 2, n % 2).wait()
        out_copy(n - 1, 1 - n % 2).wait()

    return k(tokens_flat, table)


def kernel(tokens, table):
    B0, S = tokens.shape
    V, D = table.shape
    B = B0 * S
    b_per_w = B // NW
    n_chunks = b_per_w // CH
    assert B % NW == 0 and b_per_w % (CH * NBUF) == 0

    out = _embedding_gather(tokens.reshape(B), table, b_per_w, n_chunks)
    return out.reshape(B0, S, D)

# --- scband reference (transcript-rebuilt; emitter-appended) ---
"""Pipeline reference for scband-vocabulary-38903813767631 (READ-ONLY COPY).

The authoritative reference and input builder live on the scoring server;
editing this copy changes nothing except your own understanding.
"""

import jax, jax.numpy as jnp
import numpy as np

VOCAB_SIZE = 28996  # bert-base-cased tokenizer vocab_size
EMBED_DIM = 32
BATCH = 16384
SEQ_LEN = 100


def setup_inputs(seed: int = 0) -> dict:
    key = jax.random.key(seed)
    k1, k2 = jax.random.split(key)
    tokens = jax.random.randint(k1, (BATCH, SEQ_LEN), 0, VOCAB_SIZE, dtype=jnp.int64 if jax.config.jax_enable_x64 else jnp.int32)
    # nn.Embedding default init: N(0, 1)
    table = jax.random.normal(k2, (VOCAB_SIZE, EMBED_DIM), dtype=jnp.float32)
    return {"tokens": tokens, "table": table}


def reference(tokens, table):
    # Faithful translation of vocabulary.forward: the tokenizer converts text to
    # token ids (already materialized here as `tokens`, padded/truncated to
    # max_length_sentence=100), followed by nn.Embedding lookup.
    return jnp.take(table, tokens, axis=0)

if __name__ == "__main__":
    import jax
    _d = setup_inputs()
    print(jax.jit(kernel)(*tuple(_d.values())))

</pallas_src>

<mosaic_0001>
#map = affine_map<(d0, d1) -> (0)>
#map1 = affine_map<(d0, d1) -> (0, 0)>
module attributes {stable_mosaic.version = 14 : i64} {
  func.func @k(%arg0: i32, %arg1: i32, %arg2: memref<1638400xi32, #tpu.memory_space<hbm>>, %arg3: memref<28996x32xf32, #tpu.memory_space<hbm>>, %arg4: memref<1638400x32xf32, #tpu.memory_space<hbm>>, %arg5: memref<2x1024xi32, #tpu.memory_space<vmem>>, %arg6: memref<2x1024x32xf32, #tpu.memory_space<vmem>>, %arg7: memref<2x!tpu.dma_semaphore, #tpu.memory_space<semaphore_mem>>, %arg8: memref<2x!tpu.dma_semaphore, #tpu.memory_space<semaphore_mem>>, %arg9: memref<2x!tpu.dma_semaphore, #tpu.memory_space<semaphore_mem>>) attributes {dimension_semantics = [#tpu.dimension_semantics<core_parallel>, #tpu.dimension_semantics<subcore_parallel>], iteration_bounds = array<i64: 2, 16>, scalar_prefetch = 0 : i64, scratch_operands = 5 : i64, tpu.core_type = #tpu.core_type<sc_vector_subcore>, window_params = [{transform_indices = #map}, {transform_indices = #map1}, {transform_indices = #map1}]} {
    %mul3A = arith.constant 2 : i32
    %mul3A_0 = arith.muli %arg1, %mul3A : i32
    %add3A = arith.addi %mul3A_0, %arg0 : i32
    %mul3A_1 = arith.constant 51200 : i32
    %mul3A_2 = arith.muli %add3A, %mul3A_1 : i32
    %add3A_3 = arith.constant 0 : i32
    %add3A_4 = arith.addi %mul3A_2, %add3A_3 : i32
    %dma_start3A = arith.constant 0 : i32
    %dma_start3A_5 = arith.constant 0 : i32
    %dma_start3A_6 = arith.constant 0 : i32
    %dma_start3A_7 = tpu.memref_slice %arg5[%dma_start3A, %dma_start3A_6] : memref<2x1024xi32, #tpu.memory_space<vmem>> -> memref<1x1024xi32, #tpu.memory_space<vmem>>
    %dma_start3A_8 = tpu.memref_squeeze %dma_start3A_7 : memref<1x1024xi32, #tpu.memory_space<vmem>> -> memref<1024xi32, #tpu.memory_space<vmem>>
    %dma_start3A_9 = tpu.memref_slice %arg2[%add3A_4] : memref<1638400xi32, #tpu.memory_space<hbm>> -> memref<1024xi32, #tpu.memory_space<hbm>>
    %dma_start3A_10 = tpu.memref_slice %arg7[%dma_start3A_5] : memref<2x!tpu.dma_semaphore, #tpu.memory_space<semaphore_mem>> -> memref<1x!tpu.dma_semaphore, #tpu.memory_space<semaphore_mem>>
    %dma_start3A_11 = tpu.memref_squeeze %dma_start3A_10 : memref<1x!tpu.dma_semaphore, #tpu.memory_space<semaphore_mem>> -> memref<!tpu.dma_semaphore, #tpu.memory_space<semaphore_mem>>
    %dma_start3A_12 = arith.constant 0 : i32
    %dma_start3A_13 = tpu.memref_slice %arg5[%dma_start3A, %dma_start3A_12] : memref<2x1024xi32, #tpu.memory_space<vmem>> -> memref<1x1024xi32, #tpu.memory_space<vmem>>
    %dma_start3A_14 = tpu.memref_squeeze %dma_start3A_13 : memref<1x1024xi32, #tpu.memory_space<vmem>> -> memref<1024xi32, #tpu.memory_space<vmem>>
    %dma_start3A_15 = tpu.memref_slice %arg2[%add3A_4] : memref<1638400xi32, #tpu.memory_space<hbm>> -> memref<1024xi32, #tpu.memory_space<hbm>>
    tpu.enqueue_dma source(%dma_start3A_15 : memref<1024xi32, #tpu.memory_space<hbm>>) target(%dma_start3A_14 : memref<1024xi32, #tpu.memory_space<vmem>>) target_semaphore(%dma_start3A_11 : memref<!tpu.dma_semaphore, #tpu.memory_space<semaphore_mem>>)
    %add3A_16 = arith.constant 1024 : i32
    %add3A_17 = arith.addi %mul3A_2, %add3A_16 : i32
    %dma_start3A_18 = arith.constant 1 : i32
    %dma_start3A_19 = arith.constant 1 : i32
    %dma_start3A_20 = arith.constant 0 : i32
    %dma_start3A_21 = tpu.memref_slice %arg5[%dma_start3A_18, %dma_start3A_20] : memref<2x1024xi32, #tpu.memory_space<vmem>> -> memref<1x1024xi32, #tpu.memory_space<vmem>>
    %dma_start3A_22 = tpu.memref_squeeze %dma_start3A_21 : memref<1x1024xi32, #tpu.memory_space<vmem>> -> memref<1024xi32, #tpu.memory_space<vmem>>
    %dma_start3A_23 = tpu.memref_slice %arg2[%add3A_17] : memref<1638400xi32, #tpu.memory_space<hbm>> -> memref<1024xi32, #tpu.memory_space<hbm>>
    %dma_start3A_24 = tpu.memref_slice %arg7[%dma_start3A_19] : memref<2x!tpu.dma_semaphore, #tpu.memory_space<semaphore_mem>> -> memref<1x!tpu.dma_semaphore, #tpu.memory_space<semaphore_mem>>
    %dma_start3A_25 = tpu.memref_squeeze %dma_start3A_24 : memref<1x!tpu.dma_semaphore, #tpu.memory_space<semaphore_mem>> -> memref<!tpu.dma_semaphore, #tpu.memory_space<semaphore_mem>>
    %dma_start3A_26 = arith.constant 0 : i32
    %dma_start3A_27 = tpu.memref_slice %arg5[%dma_start3A_18, %dma_start3A_26] : memref<2x1024xi32, #tpu.memory_space<vmem>> -> memref<1x1024xi32, #tpu.memory_space<vmem>>
    %dma_start3A_28 = tpu.memref_squeeze %dma_start3A_27 : memref<1x1024xi32, #tpu.memory_space<vmem>> -> memref<1024xi32, #tpu.memory_space<vmem>>
    %dma_start3A_29 = tpu.memref_slice %arg2[%add3A_17] : memref<1638400xi32, #tpu.memory_space<hbm>> -> memref<1024xi32, #tpu.memory_space<hbm>>
    tpu.enqueue_dma source(%dma_start3A_29 : memref<1024xi32, #tpu.memory_space<hbm>>) target(%dma_start3A_28 : memref<1024xi32, #tpu.memory_space<vmem>>) target_semaphore(%dma_start3A_25 : memref<!tpu.dma_semaphore, #tpu.memory_space<semaphore_mem>>)
    %add3A_30 = arith.constant 0 : i32
    %add3A_31 = arith.addi %mul3A_2, %add3A_30 : i32
    %dma_wait3A = arith.constant 0 : i32
    %dma_wait3A_32 = arith.constant 0 : i32
    %dma_wait3A_33 = arith.constant 0 : i32
    %dma_wait3A_34 = tpu.memref_slice %arg5[%dma_wait3A, %dma_wait3A_33] : memref<2x1024xi32, #tpu.memory_space<vmem>> -> memref<1x1024xi32, #tpu.memory_space<vmem>>
    %dma_wait3A_35 = tpu.memref_squeeze %dma_wait3A_34 : memref<1x1024xi32, #tpu.memory_space<vmem>> -> memref<1024xi32, #tpu.memory_space<vmem>>
    %dma_wait3A_36 = tpu.memref_slice %arg2[%add3A_31] : memref<1638400xi32, #tpu.memory_space<hbm>> -> memref<1024xi32, #tpu.memory_space<hbm>>
    %dma_wait3A_37 = tpu.memref_slice %arg7[%dma_wait3A_32] : memref<2x!tpu.dma_semaphore, #tpu.memory_space<semaphore_mem>> -> memref<1x!tpu.dma_semaphore, #tpu.memory_space<semaphore_mem>>
    %dma_wait3A_38 = tpu.memref_squeeze %dma_wait3A_37 : memref<1x!tpu.dma_semaphore, #tpu.memory_space<semaphore_mem>> -> memref<!tpu.dma_semaphore, #tpu.memory_space<semaphore_mem>>
    %dma_wait3A_39 = arith.constant 0 : i32
    %dma_wait3A_40 = tpu.memref_slice %arg5[%dma_wait3A, %dma_wait3A_39] : memref<2x1024xi32, #tpu.memory_space<vmem>> -> memref<1x1024xi32, #tpu.memory_space<vmem>>
    %dma_wait3A_41 = tpu.memref_squeeze %dma_wait3A_40 : memref<1x1024xi32, #tpu.memory_space<vmem>> -> memref<1024xi32, #tpu.memory_space<vmem>>
    %dma_wait3A_42 = tpu.memref_slice %arg2[%add3A_31] : memref<1638400xi32, #tpu.memory_space<hbm>> -> memref<1024xi32, #tpu.memory_space<hbm>>
    tpu.wait_dma2 semaphore(%dma_wait3A_38 : memref<!tpu.dma_semaphore, #tpu.memory_space<semaphore_mem>>) src(%dma_wait3A_42 : memref<1024xi32, #tpu.memory_space<hbm>>) dst(%dma_wait3A_41 : memref<1024xi32, #tpu.memory_space<vmem>>)
    %dma_start3A_43 = arith.constant 0 : i32
    %dma_start3A_44 = arith.constant 0 : i32
    %dma_start3A_45 = arith.constant 0 : i32
    %dma_start3A_46 = arith.constant 0 : i32
    %dma_start3A_47 = arith.constant 0 : i32
    %dma_start3A_48 = tpu.memref_slice %arg6[%dma_start3A_44, %dma_start3A_46, %dma_start3A_47] : memref<2x1024x32xf32, #tpu.memory_space<vmem>> -> memref<1x1024x32xf32, #tpu.memory_space<vmem>>
    %dma_start3A_49 = tpu.memref_squeeze %dma_start3A_48 : memref<1x1024x32xf32, #tpu.memory_space<vmem>> -> memref<1024x32xf32, #tpu.memory_space<vmem>>
    %dma_start3A_50 = arith.constant 0 : i32
    %dma_start3A_51 = arith.constant 0 : i32
    %dma_start3A_52 = tpu.memref_slice %dma_start3A_49[%dma_start3A_50, %dma_start3A_51] : memref<1024x32xf32, #tpu.memory_space<vmem>> -> memref<128x32xf32, #tpu.memory_space<vmem>>
    %dma_start3A_53 = arith.constant 0 : i32
    %dma_start3A_54 = tpu.memref_slice %arg5[%dma_start3A_43, %dma_start3A_53] : memref<2x1024xi32, #tpu.memory_space<vmem>> -> memref<1x1024xi32, #tpu.memory_space<vmem>>
    %dma_start3A_55 = tpu.memref_squeeze %dma_start3A_54 : memref<1x1024xi32, #tpu.memory_space<vmem>> -> memref<1024xi32, #tpu.memory_space<vmem>>
    %dma_start3A_56 = arith.constant 0 : i32
    %dma_start3A_57 = tpu.memref_slice %dma_start3A_55[%dma_start3A_56] : memref<1024xi32, #tpu.memory_space<vmem>> -> memref<128xi32, #tpu.memory_space<vmem>>
    %dma_start3A_58 = arith.constant 0 : i32
    %dma_start3A_59 = arith.constant 0 : i32
    %dma_start3A_60 = tpu.memref_slice %arg3[%dma_start3A_58, %dma_start3A_59] : memref<28996x32xf32, #tpu.memory_space<hbm>> -> memref<28996x32xf32, #tpu.memory_space<hbm>>
    %dma_start3A_61 = tpu.memref_slice %arg8[%dma_start3A_45] : memref<2x!tpu.dma_semaphore, #tpu.memory_space<semaphore_mem>> -> memref<1x!tpu.dma_semaphore, #tpu.memory_space<semaphore_mem>>
    %dma_start3A_62 = tpu.memref_squeeze %dma_start3A_61 : memref<1x!tpu.dma_semaphore, #tpu.memory_space<semaphore_mem>> -> memref<!tpu.dma_semaphore, #tpu.memory_space<semaphore_mem>>
    tpu.enqueue_indirect_dma source(%dma_start3A_60 : memref<28996x32xf32, #tpu.memory_space<hbm>>) target(%dma_start3A_52 : memref<128x32xf32, #tpu.memory_space<vmem>>) offsets(%dma_start3A_57 : memref<128xi32, #tpu.memory_space<vmem>>) semaphore(%dma_start3A_62 : memref<!tpu.dma_semaphore, #tpu.memory_space<semaphore_mem>>)
    %dma_start3A_63 = arith.constant 0 : i32
    %dma_start3A_64 = arith.constant 0 : i32
    %dma_start3A_65 = arith.constant 0 : i32
    %dma_start3A_66 = arith.constant 0 : i32
    %dma_start3A_67 = arith.constant 0 : i32
    %dma_start3A_68 = tpu.memref_slice %arg6[%dma_start3A_64, %dma_start3A_66, %dma_start3A_67] : memref<2x1024x32xf32, #tpu.memory_space<vmem>> -> memref<1x1024x32xf32, #tpu.memory_space<vmem>>
    %dma_start3A_69 = tpu.memref_squeeze %dma_start3A_68 : memref<1x1024x32xf32, #tpu.memory_space<vmem>> -> memref<1024x32xf32, #tpu.memory_space<vmem>>
    %dma_start3A_70 = arith.constant 128 : i32
    %dma_start3A_71 = arith.constant 0 : i32
    %dma_start3A_72 = tpu.memref_slice %dma_start3A_69[%dma_start3A_70, %dma_start3A_71] : memref<1024x32xf32, #tpu.memory_space<vmem>> -> memref<128x32xf32, #tpu.memory_space<vmem>>
    %dma_start3A_73 = arith.constant 0 : i32
    %dma_start3A_74 = tpu.memref_slice %arg5[%dma_start3A_63, %dma_start3A_73] : memref<2x1024xi32, #tpu.memory_space<vmem>> -> memref<1x1024xi32, #tpu.memory_space<vmem>>
    %dma_start3A_75 = tpu.memref_squeeze %dma_start3A_74 : memref<1x1024xi32, #tpu.memory_space<vmem>> -> memref<1024xi32, #tpu.memory_space<vmem>>
    %dma_start3A_76 = arith.constant 128 : i32
    %dma_start3A_77 = tpu.memref_slice %dma_start3A_75[%dma_start3A_76] : memref<1024xi32, #tpu.memory_space<vmem>> -> memref<128xi32, #tpu.memory_space<vmem>>
    %dma_start3A_78 = arith.constant 0 : i32
    %dma_start3A_79 = arith.constant 0 : i32
    %dma_start3A_80 = tpu.memref_slice %arg3[%dma_start3A_78, %dma_start3A_79] : memref<28996x32xf32, #tpu.memory_space<hbm>> -> memref<28996x32xf32, #tpu.memory_space<hbm>>
    %dma_start3A_81 = tpu.memref_slice %arg8[%dma_start3A_65] : memref<2x!tpu.dma_semaphore, #tpu.memory_space<semaphore_mem>> -> memref<1x!tpu.dma_semaphore, #tpu.memory_space<semaphore_mem>>
    %dma_start3A_82 = tpu.memref_squeeze %dma_start3A_81 : memref<1x!tpu.dma_semaphore, #tpu.memory_space<semaphore_mem>> -> memref<!tpu.dma_semaphore, #tpu.memory_space<semaphore_mem>>
    tpu.enqueue_indirect_dma source(%dma_start3A_80 : memref<28996x32xf32, #tpu.memory_space<hbm>>) target(%dma_start3A_72 : memref<128x32xf32, #tpu.memory_space<vmem>>) offsets(%dma_start3A_77 : memref<128xi32, #tpu.memory_space<vmem>>) semaphore(%dma_start3A_82 : memref<!tpu.dma_semaphore, #tpu.memory_space<semaphore_mem>>)
    %dma_start3A_83 = arith.constant 0 : i32
    %dma_start3A_84 = arith.constant 0 : i32
    %dma_start3A_85 = arith.constant 0 : i32
    %dma_start3A_86 = arith.constant 0 : i32
    %dma_start3A_87 = arith.constant 0 : i32
    %dma_start3A_88 = tpu.memref_slice %arg6[%dma_start3A_84, %dma_start3A_86, %dma_start3A_87] : memref<2x1024x32xf32, #tpu.memory_space<vmem>> -> memref<1x1024x32xf32, #tpu.memory_space<vmem>>
    %dma_start3A_89 = tpu.memref_squeeze %dma_start3A_88 : memref<1x1024x32xf32, #tpu.memory_space<vmem>> -> memref<1024x32xf32, #tpu.memory_space<vmem>>
    %dma_start3A_90 = arith.constant 256 : i32
    %dma_start3A_91 = arith.constant 0 : i32
    %dma_start3A_92 = tpu.memref_slice %dma_start3A_89[%dma_start3A_90, %dma_start3A_91] : memref<1024x32xf32, #tpu.memory_space<vmem>> -> memref<128x32xf32, #tpu.memory_space<vmem>>
    %dma_start3A_93 = arith.constant 0 : i32
    %dma_start3A_94 = tpu.memref_slice %arg5[%dma_start3A_83, %dma_start3A_93] : memref<2x1024xi32, #tpu.memory_space<vmem>> -> memref<1x1024xi32, #tpu.memory_space<vmem>>
    %dma_start3A_95 = tpu.memref_squeeze %dma_start3A_94 : memref<1x1024xi32, #tpu.memory_space<vmem>> -> memref<1024xi32, #tpu.memory_space<vmem>>
    %dma_start3A_96 = arith.constant 256 : i32
    %dma_start3A_97 = tpu.memref_slice %dma_start3A_95[%dma_start3A_96] : memref<1024xi32, #tpu.memory_space<vmem>> -> memref<128xi32, #tpu.memory_space<vmem>>
    %dma_start3A_98 = arith.constant 0 : i32
    %dma_start3A_99 = arith.constant 0 : i32
    %dma_start3A_100 = tpu.memref_slice %arg3[%dma_start3A_98, %dma_start3A_99] : memref<28996x32xf32, #tpu.memory_space<hbm>> -> memref<28996x32xf32, #tpu.memory_space<hbm>>
    %dma_start3A_101 = tpu.memref_slice %arg8[%dma_start3A_85] : memref<2x!tpu.dma_semaphore, #tpu.memory_space<semaphore_mem>> -> memref<1x!tpu.dma_semaphore, #tpu.memory_space<semaphore_mem>>
    %dma_start3A_102 = tpu.memref_squeeze %dma_start3A_101 : memref<1x!tpu.dma_semaphore, #tpu.memory_space<semaphore_mem>> -> memref<!tpu.dma_semaphore, #tpu.memory_space<semaphore_mem>>
    tpu.enqueue_indirect_dma source(%dma_start3A_100 : memref<28996x32xf32, #tpu.memory_space<hbm>>) target(%dma_start3A_92 : memref<128x32xf32, #tpu.memory_space<vmem>>) offsets(%dma_start3A_97 : memref<128xi32, #tpu.memory_space<vmem>>) semaphore(%dma_start3A_102 : memref<!tpu.dma_semaphore, #tpu.memory_space<semaphore_mem>>)
    %dma_start3A_103 = arith.constant 0 : i32
    %dma_start3A_104 = arith.constant 0 : i32
    %dma_start3A_105 = arith.constant 0 : i32
    %dma_start3A_106 = arith.constant 0 : i32
    %dma_start3A_107 = arith.constant 0 : i32
    %dma_start3A_108 = tpu.memref_slice %arg6[%dma_start3A_104, %dma_start3A_106, %dma_start3A_107] : memref<2x1024x32xf32, #tpu.memory_space<vmem>> -> memref<1x1024x32xf32, #tpu.memory_space<vmem>>
    %dma_start3A_109 = tpu.memref_squeeze %dma_start3A_108 : memref<1x1024x32xf32, #tpu.memory_space<vmem>> -> memref<1024x32xf32, #tpu.memory_space<vmem>>
    %dma_start3A_110 = arith.constant 384 : i32
    %dma_start3A_111 = arith.constant 0 : i32
    %dma_start3A_112 = tpu.memref_slice %dma_start3A_109[%dma_start3A_110, %dma_start3A_111] : memref<1024x32xf32, #tpu.memory_space<vmem>> -> memref<128x32xf32, #tpu.memory_space<vmem>>
    %dma_start3A_113 = arith.constant 0 : i32
    %dma_start3A_114 = tpu.memref_slice %arg5[%dma_start3A_103, %dma_start3A_113] : memref<2x1024xi32, #tpu.memory_space<vmem>> -> memref<1x1024xi32, #tpu.memory_space<vmem>>
    %dma_start3A_115 = tpu.memref_squeeze %dma_start3A_114 : memref<1x1024xi32, #tpu.memory_space<vmem>> -> memref<1024xi32, #tpu.memory_space<vmem>>
    %dma_start3A_116 = arith.constant 384 : i32
    %dma_start3A_117 = tpu.memref_slice %dma_start3A_115[%dma_start3A_116] : memref<1024xi32, #tpu.memory_space<vmem>> -> memref<128xi32, #tpu.memory_space<vmem>>
    %dma_start3A_118 = arith.constant 0 : i32
    %dma_start3A_119 = arith.constant 0 : i32
    %dma_start3A_120 = tpu.memref_slice %arg3[%dma_start3A_118, %dma_start3A_119] : memref<28996x32xf32, #tpu.memory_space<hbm>> -> memref<28996x32xf32, #tpu.memory_space<hbm>>
    %dma_start3A_121 = tpu.memref_slice %arg8[%dma_start3A_105] : memref<2x!tpu.dma_semaphore, #tpu.memory_space<semaphore_mem>> -> memref<1x!tpu.dma_semaphore, #tpu.memory_space<semaphore_mem>>
    %dma_start3A_122 = tpu.memref_squeeze %dma_start3A_121 : memref<1x!tpu.dma_semaphore, #tpu.memory_space<semaphore_mem>> -> memref<!tpu.dma_semaphore, #tpu.memory_space<semaphore_mem>>
    tpu.enqueue_indirect_dma source(%dma_start3A_120 : memref<28996x32xf32, #tpu.memory_space<hbm>>) target(%dma_start3A_112 : memref<128x32xf32, #tpu.memory_space<vmem>>) offsets(%dma_start3A_117 : memref<128xi32, #tpu.memory_space<vmem>>) semaphore(%dma_start3A_122 : memref<!tpu.dma_semaphore, #tpu.memory_space<semaphore_mem>>)
    %dma_start3A_123 = arith.constant 0 : i32
    %dma_start3A_124 = arith.constant 0 : i32
    %dma_start3A_125 = arith.constant 0 : i32
    %dma_start3A_126 = arith.constant 0 : i32
    %dma_start3A_127 = arith.constant 0 : i32
    %dma_start3A_128 = tpu.memref_slice %arg6[%dma_start3A_124, %dma_start3A_126, %dma_start3A_127] : memref<2x1024x32xf32, #tpu.memory_space<vmem>> -> memref<1x1024x32xf32, #tpu.memory_space<vmem>>
    %dma_start3A_129 = tpu.memref_squeeze %dma_start3A_128 : memref<1x1024x32xf32, #tpu.memory_space<vmem>> -> memref<1024x32xf32, #tpu.memory_space<vmem>>
    %dma_start3A_130 = arith.constant 512 : i32
    %dma_start3A_131 = arith.constant 0 : i32
    %dma_start3A_132 = tpu.memref_slice %dma_start3A_129[%dma_start3A_130, %dma_start3A_131] : memref<1024x32xf32, #tpu.memory_space<vmem>> -> memref<128x32xf32, #tpu.memory_space<vmem>>
    %dma_start3A_133 = arith.constant 0 : i32
    %dma_start3A_134 = tpu.memref_slice %arg5[%dma_start3A_123, %dma_start3A_133] : memref<2x1024xi32, #tpu.memory_space<vmem>> -> memref<1x1024xi32, #tpu.memory_space<vmem>>
    %dma_start3A_135 = tpu.memref_squeeze %dma_start3A_134 : memref<1x1024xi32, #tpu.memory_space<vmem>> -> memref<1024xi32, #tpu.memory_space<vmem>>
    %dma_start3A_136 = arith.constant 512 : i32
    %dma_start3A_137 = tpu.memref_slice %dma_start3A_135[%dma_start3A_136] : memref<1024xi32, #tpu.memory_space<vmem>> -> memref<128xi32, #tpu.memory_space<vmem>>
    %dma_start3A_138 = arith.constant 0 : i32
    %dma_start3A_139 = arith.constant 0 : i32
    %dma_start3A_140 = tpu.memref_slice %arg3[%dma_start3A_138, %dma_start3A_139] : memref<28996x32xf32, #tpu.memory_space<hbm>> -> memref<28996x32xf32, #tpu.memory_space<hbm>>
    %dma_start3A_141 = tpu.memref_slice %arg8[%dma_start3A_125] : memref<2x!tpu.dma_semaphore, #tpu.memory_space<semaphore_mem>> -> memref<1x!tpu.dma_semaphore, #tpu.memory_space<semaphore_mem>>
    %dma_start3A_142 = tpu.memref_squeeze %dma_start3A_141 : memref<1x!tpu.dma_semaphore, #tpu.memory_space<semaphore_mem>> -> memref<!tpu.dma_semaphore, #tpu.memory_space<semaphore_mem>>
    tpu.enqueue_indirect_dma source(%dma_start3A_140 : memref<28996x32xf32, #tpu.memory_space<hbm>>) target(%dma_start3A_132 : memref<128x32xf32, #tpu.memory_space<vmem>>) offsets(%dma_start3A_137 : memref<128xi32, #tpu.memory_space<vmem>>) semaphore(%dma_start3A_142 : memref<!tpu.dma_semaphore, #tpu.memory_space<semaphore_mem>>)
    %dma_start3A_143 = arith.constant 0 : i32
    %dma_start3A_144 = arith.constant 0 : i32
    %dma_start3A_145 = arith.constant 0 : i32
    %dma_start3A_146 = arith.constant 0 : i32
    %dma_start3A_147 = arith.constant 0 : i32
    %dma_start3A_148 = tpu.memref_slice %arg6[%dma_start3A_144, %dma_start3A_146, %dma_start3A_147] : memref<2x1024x32xf32, #tpu.memory_space<vmem>> -> memref<1x1024x32xf32, #tpu.memory_space<vmem>>
    %dma_start3A_149 = tpu.memref_squeeze %dma_start3A_148 : memref<1x1024x32xf32, #tpu.memory_space<vmem>> -> memref<1024x32xf32, #tpu.memory_space<vmem>>
    %dma_start3A_150 = arith.constant 640 : i32
    %dma_start3A_151 = arith.constant 0 : i32
    %dma_start3A_152 = tpu.memref_slice %dma_start3A_149[%dma_start3A_150, %dma_start3A_151] : memref<1024x32xf32, #tpu.memory_space<vmem>> -> memref<128x32xf32, #tpu.memory_space<vmem>>
    %dma_start3A_153 = arith.constant 0 : i32
    %dma_start3A_154 = tpu.memref_slice %arg5[%dma_start3A_143, %dma_start3A_153] : memref<2x1024xi32, #tpu.memory_space<vmem>> -> memref<1x1024xi32, #tpu.memory_space<vmem>>
    %dma_start3A_155 = tpu.memref_squeeze %dma_start3A_154 : memref<1x1024xi32, #tpu.memory_space<vmem>> -> memref<1024xi32, #tpu.memory_space<vmem>>
    %dma_start3A_156 = arith.constant 640 : i32
    %dma_start3A_157 = tpu.memref_slice %dma_start3A_155[%dma_start3A_156] : memref<1024xi32, #tpu.memory_space<vmem>> -> memref<128xi32, #tpu.memory_space<vmem>>
    %dma_start3A_158 = arith.constant 0 : i32
    %dma_start3A_159 = arith.constant 0 : i32
    %dma_start3A_160 = tpu.memref_slice %arg3[%dma_start3A_158, %dma_start3A_159] : memref<28996x32xf32, #tpu.memory_space<hbm>> -> memref<28996x32xf32, #tpu.memory_space<hbm>>
    %dma_start3A_161 = tpu.memref_slice %arg8[%dma_start3A_145] : memref<2x!tpu.dma_semaphore, #tpu.memory_space<semaphore_mem>> -> memref<1x!tpu.dma_semaphore, #tpu.memory_space<semaphore_mem>>
    %dma_start3A_162 = tpu.memref_squeeze %dma_start3A_161 : memref<1x!tpu.dma_semaphore, #tpu.memory_space<semaphore_mem>> -> memref<!tpu.dma_semaphore, #tpu.memory_space<semaphore_mem>>
    tpu.enqueue_indirect_dma source(%dma_start3A_160 : memref<28996x32xf32, #tpu.memory_space<hbm>>) target(%dma_start3A_152 : memref<128x32xf32, #tpu.memory_space<vmem>>) offsets(%dma_start3A_157 : memref<128xi32, #tpu.memory_space<vmem>>) semaphore(%dma_start3A_162 : memref<!tpu.dma_semaphore, #tpu.memory_space<semaphore_mem>>)
    %dma_start3A_163 = arith.constant 0 : i32
    %dma_start3A_164 = arith.constant 0 : i32
    %dma_start3A_165 = arith.constant 0 : i32
    %dma_start3A_166 = arith.constant 0 : i32
    %dma_start3A_167 = arith.constant 0 : i32
    %dma_start3A_168 = tpu.memref_slice %arg6[%dma_start3A_164, %dma_start3A_166, %dma_start3A_167] : memref<2x1024x32xf32, #tpu.memory_space<vmem>> -> memref<1x1024x32xf32, #tpu.memory_space<vmem>>
    %dma_start3A_169 = tpu.memref_squeeze %dma_start3A_168 : memref<1x1024x32xf32, #tpu.memory_space<vmem>> -> memref<1024x32xf32, #tpu.memory_space<vmem>>
    %dma_start3A_170 = arith.constant 768 : i32
    %dma_start3A_171 = arith.constant 0 : i32
    %dma_start3A_172 = tpu.memref_slice %dma_start3A_169[%dma_start3A_170, %dma_start3A_171] : memref<1024x32xf32, #tpu.memory_space<vmem>> -> memref<128x32xf32, #tpu.memory_space<vmem>>
    %dma_start3A_173 = arith.constant 0 : i32
    %dma_start3A_174 = tpu.memref_slice %arg5[%dma_start3A_163, %dma_start3A_173] : memref<2x1024xi32, #tpu.memory_space<vmem>> -> memref<1x1024xi32, #tpu.memory_space<vmem>>
    %dma_start3A_175 = tpu.memref_squeeze %dma_start3A_174 : memref<1x1024xi32, #tpu.memory_space<vmem>> -> memref<1024xi32, #tpu.memory_space<vmem>>
    %dma_start3A_176 = arith.constant 768 : i32
    %dma_start3A_177 = tpu.memref_slice %dma_start3A_175[%dma_start3A_176] : memref<1024xi32, #tpu.memory_space<vmem>> -> memref<128xi32, #tpu.memory_space<vmem>>
    %dma_start3A_178 = arith.constant 0 : i32
    %dma_start3A_179 = arith.constant 0 : i32
    %dma_start3A_180 = tpu.memref_slice %arg3[%dma_start3A_178, %dma_start3A_179] : memref<28996x32xf32, #tpu.memory_space<hbm>> -> memref<28996x32xf32, #tpu.memory_space<hbm>>
    %dma_start3A_181 = tpu.memref_slice %arg8[%dma_start3A_165] : memref<2x!tpu.dma_semaphore, #tpu.memory_space<semaphore_mem>> -> memref<1x!tpu.dma_semaphore, #tpu.memory_space<semaphore_mem>>
    %dma_start3A_182 = tpu.memref_squeeze %dma_start3A_181 : memref<1x!tpu.dma_semaphore, #tpu.memory_space<semaphore_mem>> -> memref<!tpu.dma_semaphore, #tpu.memory_space<semaphore_mem>>
    tpu.enqueue_indirect_dma source(%dma_start3A_180 : memref<28996x32xf32, #tpu.memory_space<hbm>>) target(%dma_start3A_172 : memref<128x32xf32, #tpu.memory_space<vmem>>) offsets(%dma_start3A_177 : memref<128xi32, #tpu.memory_space<vmem>>) semaphore(%dma_start3A_182 : memref<!tpu.dma_semaphore, #tpu.memory_space<semaphore_mem>>)
    %dma_start3A_183 = arith.constant 0 : i32
    %dma_start3A_184 = arith.constant 0 : i32
    %dma_start3A_185 = arith.constant 0 : i32
    %dma_start3A_186 = arith.constant 0 : i32
    %dma_start3A_187 = arith.constant 0 : i32
    %dma_start3A_188 = tpu.memref_slice %arg6[%dma_start3A_184, %dma_start3A_186, %dma_start3A_187] : memref<2x1024x32xf32, #tpu.memory_space<vmem>> -> memref<1x1024x32xf32, #tpu.memory_space<vmem>>
    %dma_start3A_189 = tpu.memref_squeeze %dma_start3A_188 : memref<1x1024x32xf32, #tpu.memory_space<vmem>> -> memref<1024x32xf32, #tpu.memory_space<vmem>>
    %dma_start3A_190 = arith.constant 896 : i32
    %dma_start3A_191 = arith.constant 0 : i32
    %dma_start3A_192 = tpu.memref_slice %dma_start3A_189[%dma_start3A_190, %dma_start3A_191] : memref<1024x32xf32, #tpu.memory_space<vmem>> -> memref<128x32xf32, #tpu.memory_space<vmem>>
    %dma_start3A_193 = arith.constant 0 : i32
    %dma_start3A_194 = tpu.memref_slice %arg5[%dma_start3A_183, %dma_start3A_193] : memref<2x1024xi32, #tpu.memory_space<vmem>> -> memref<1x1024xi32, #tpu.memory_space<vmem>>
    %dma_start3A_195 = tpu.memref_squeeze %dma_start3A_194 : memref<1x1024xi32, #tpu.memory_space<vmem>> -> memref<1024xi32, #tpu.memory_space<vmem>>
    %dma_start3A_196 = arith.constant 896 : i32
    %dma_start3A_197 = tpu.memref_slice %dma_start3A_195[%dma_start3A_196] : memref<1024xi32, #tpu.memory_space<vmem>> -> memref<128xi32, #tpu.memory_space<vmem>>
    %dma_start3A_198 = arith.constant 0 : i32
    %dma_start3A_199 = arith.constant 0 : i32
    %dma_start3A_200 = tpu.memref_slice %arg3[%dma_start3A_198, %dma_start3A_199] : memref<28996x32xf32, #tpu.memory_space<hbm>> -> memref<28996x32xf32, #tpu.memory_space<hbm>>
    %dma_start3A_201 = tpu.memref_slice %arg8[%dma_start3A_185] : memref<2x!tpu.dma_semaphore, #tpu.memory_space<semaphore_mem>> -> memref<1x!tpu.dma_semaphore, #tpu.memory_space<semaphore_mem>>
    %dma_start3A_202 = tpu.memref_squeeze %dma_start3A_201 : memref<1x!tpu.dma_semaphore, #tpu.memory_space<semaphore_mem>> -> memref<!tpu.dma_semaphore, #tpu.memory_space<semaphore_mem>>
    tpu.enqueue_indirect_dma source(%dma_start3A_200 : memref<28996x32xf32, #tpu.memory_space<hbm>>) target(%dma_start3A_192 : memref<128x32xf32, #tpu.memory_space<vmem>>) offsets(%dma_start3A_197 : memref<128xi32, #tpu.memory_space<vmem>>) semaphore(%dma_start3A_202 : memref<!tpu.dma_semaphore, #tpu.memory_space<semaphore_mem>>)
    %scan3A = arith.constant 0 : i32
    %scan3A_203 = arith.constant 0 : i32
    %scan3A_204 = arith.constant 25 : i32
    %scan3A_205 = arith.addi %scan3A_203, %scan3A_204 : i32
    %scan3A_206 = arith.constant 1 : i32
    scf.for %scan3A_244 = %scan3A_203 to %scan3A_205 step %scan3A_206  : i32 {
      %mul3A_245 = arith.constant 2 : i32
      %mul3A_246 = arith.muli %mul3A_245, %scan3A_244 : i32
      %add3A_247 = arith.constant 0 : i32
      %add3A_248 = arith.addi %mul3A_246, %add3A_247 : i32
      %add3A_249 = arith.constant 1 : i32
      %add3A_250 = arith.addi %add3A_248, %add3A_249 : i32
      %lt3A = arith.constant 50 : i32
      %lt3A_251 = arith.cmpi slt, %add3A_250, %lt3A : i32
      %convert_element_type3A = arith.extui %lt3A_251 : i1 to i32
      %cond3A = arith.constant 0 : i32
      %cond3A_252 = arith.cmpi ne, %convert_element_type3A, %cond3A : i32
      scf.if %cond3A_252 {
        %add3A_636 = arith.constant 1 : i32
        %add3A_637 = arith.addi %add3A_248, %add3A_636 : i32
        %mul3A_638 = arith.constant 1024 : i32
        %mul3A_639 = arith.muli %add3A_637, %mul3A_638 : i32
        %add3A_640 = arith.addi %mul3A_2, %mul3A_639 : i32
        %dma_wait3A_641 = arith.constant 1 : i32
        %dma_wait3A_642 = arith.constant 1 : i32
        %dma_wait3A_643 = arith.constant 0 : i32
        %dma_wait3A_644 = tpu.memref_slice %arg5[%dma_wait3A_641, %dma_wait3A_643] : memref<2x1024xi32, #tpu.memory_space<vmem>> -> memref<1x1024xi32, #tpu.memory_space<vmem>>
        %dma_wait3A_645 = tpu.memref_squeeze %dma_wait3A_644 : memref<1x1024xi32, #tpu.memory_space<vmem>> -> memref<1024xi32, #tpu.memory_space<vmem>>
        %dma_wait3A_646 = tpu.memref_slice %arg2[%add3A_640] : memref<1638400xi32, #tpu.memory_space<hbm>> -> memref<1024xi32, #tpu.memory_space<hbm>>
        %dma_wait3A_647 = tpu.memref_slice %arg7[%dma_wait3A_642] : memref<2x!tpu.dma_semaphore, #tpu.memory_space<semaphore_mem>> -> memref<1x!tpu.dma_semaphore, #tpu.memory_space<semaphore_mem>>
        %dma_wait3A_648 = tpu.memref_squeeze %dma_wait3A_647 : memref<1x!tpu.dma_semaphore, #tpu.memory_space<semaphore_mem>> -> memref<!tpu.dma_semaphore, #tpu.memory_space<semaphore_mem>>
        %dma_wait3A_649 = arith.constant 0 : i32
        %dma_wait3A_650 = tpu.memref_slice %arg5[%dma_wait3A_641, %dma_wait3A_649] : memref<2x1024xi32, #tpu.memory_space<vmem>> -> memref<1x1024xi32, #tpu.memory_space<vmem>>
        %dma_wait3A_651 = tpu.memref_squeeze %dma_wait3A_650 : memref<1x1024xi32, #tpu.memory_space<vmem>> -> memref<1024xi32, #tpu.memory_space<vmem>>
        %dma_wait3A_652 = tpu.memref_slice %arg2[%add3A_640] : memref<1638400xi32, #tpu.memory_space<hbm>> -> memref<1024xi32, #tpu.memory_space<hbm>>
        tpu.wait_dma2 semaphore(%dma_wait3A_648 : memref<!tpu.dma_semaphore, #tpu.memory_space<semaphore_mem>>) src(%dma_wait3A_652 : memref<1024xi32, #tpu.memory_space<hbm>>) dst(%dma_wait3A_651 : memref<1024xi32, #tpu.memory_space<vmem>>)
        %ge3A = arith.constant 1 : i32
        %ge3A_653 = arith.cmpi sge, %add3A_248, %ge3A : i32
        %convert_element_type3A_654 = arith.extui %ge3A_653 : i1 to i32
        %cond3A_655 = arith.constant 0 : i32
        %cond3A_656 = arith.cmpi ne, %convert_element_type3A_654, %cond3A_655 : i32
        scf.if %cond3A_656 {
          %sub3A = arith.constant 1 : i32
          %sub3A_817 = arith.subi %add3A_248, %sub3A : i32
          %mul3A_818 = arith.constant 1024 : i32
          %mul3A_819 = arith.muli %sub3A_817, %mul3A_818 : i32
          %add3A_820 = arith.addi %mul3A_2, %mul3A_819 : i32
          %dma_wait3A_821 = arith.constant 1 : i32
          %dma_wait3A_822 = arith.constant 1 : i32
          %dma_wait3A_823 = arith.constant 0 : i32
          %dma_wait3A_824 = arith.constant 0 : i32
          %dma_wait3A_825 = tpu.memref_slice %arg6[%dma_wait3A_821, %dma_wait3A_823, %dma_wait3A_824] : memref<2x1024x32xf32, #tpu.memory_space<vmem>> -> memref<1x1024x32xf32, #tpu.memory_space<vmem>>
          %dma_wait3A_826 = tpu.memref_squeeze %dma_wait3A_825 : memref<1x1024x32xf32, #tpu.memory_space<vmem>> -> memref<1024x32xf32, #tpu.memory_space<vmem>>
          %dma_wait3A_827 = arith.constant 0 : i32
          %dma_wait3A_828 = tpu.memref_slice %arg4[%add3A_820, %dma_wait3A_827] : memref<1638400x32xf32, #tpu.memory_space<hbm>> -> memref<1024x32xf32, #tpu.memory_space<hbm>>
          %dma_wait3A_829 = tpu.memref_slice %arg9[%dma_wait3A_822] : memref<2x!tpu.dma_semaphore, #tpu.memory_space<semaphore_mem>> -> memref<1x!tpu.dma_semaphore, #tpu.memory_space<semaphore_mem>>
          %dma_wait3A_830 = tpu.memref_squeeze %dma_wait3A_829 : memref<1x!tpu.dma_semaphore, #tpu.memory_space<semaphore_mem>> -> memref<!tpu.dma_semaphore, #tpu.memory_space<semaphore_mem>>
          %dma_wait3A_831 = arith.constant 0 : i32
          %dma_wait3A_832 = tpu.memref_slice %arg4[%add3A_820, %dma_wait3A_831] : memref<1638400x32xf32, #tpu.memory_space<hbm>> -> memref<1024x32xf32, #tpu.memory_space<hbm>>
          %dma_wait3A_833 = arith.constant 0 : i32
          %dma_wait3A_834 = arith.constant 0 : i32
          %dma_wait3A_835 = tpu.memref_slice %arg6[%dma_wait3A_821, %dma_wait3A_833, %dma_wait3A_834] : memref<2x1024x32xf32, #tpu.memory_space<vmem>> -> memref<1x1024x32xf32, #tpu.memory_space<vmem>>
          %dma_wait3A_836 = tpu.memref_squeeze %dma_wait3A_835 : memref<1x1024x32xf32, #tpu.memory_space<vmem>> -> memref<1024x32xf32, #tpu.memory_space<vmem>>
          tpu.wait_dma2 semaphore(%dma_wait3A_830 : memref<!tpu.dma_semaphore, #tpu.memory_space<semaphore_mem>>) src(%dma_wait3A_836 : memref<1024x32xf32, #tpu.memory_space<vmem>>) dst(%dma_wait3A_832 : memref<1024x32xf32, #tpu.memory_space<hbm>>)
        } else {
        }
        %dma_start3A_657 = arith.constant 1 : i32
        %dma_start3A_658 = arith.constant 1 : i32
        %dma_start3A_659 = arith.constant 1 : i32
        %dma_start3A_660 = arith.constant 0 : i32
        %dma_start3A_661 = arith.constant 0 : i32
        %dma_start3A_662 = tpu.memref_slice %arg6[%dma_start3A_658, %dma_start3A_660, %dma_start3A_661] : memref<2x1024x32xf32, #tpu.memory_space<vmem>> -> memref<1x1024x32xf32, #tpu.memory_space<vmem>>
        %dma_start3A_663 = tpu.memref_squeeze %dma_start3A_662 : memref<1x1024x32xf32, #tpu.memory_space<vmem>> -> memref<1024x32xf32, #tpu.memory_space<vmem>>
        %dma_start3A_664 = arith.constant 0 : i32
        %dma_start3A_665 = arith.constant 0 : i32
        %dma_start3A_666 = tpu.memref_slice %dma_start3A_663[%dma_start3A_664, %dma_start3A_665] : memref<1024x32xf32, #tpu.memory_space<vmem>> -> memref<128x32xf32, #tpu.memory_space<vmem>>
        %dma_start3A_667 = arith.constant 0 : i32
        %dma_start3A_668 = tpu.memref_slice %arg5[%dma_start3A_657, %dma_start3A_667] : memref<2x1024xi32, #tpu.memory_space<vmem>> -> memref<1x1024xi32, #tpu.memory_space<vmem>>
        %dma_start3A_669 = tpu.memref_squeeze %dma_start3A_668 : memref<1x1024xi32, #tpu.memory_space<vmem>> -> memref<1024xi32, #tpu.memory_space<vmem>>
        %dma_start3A_670 = arith.constant 0 : i32
        %dma_start3A_671 = tpu.memref_slice %dma_start3A_669[%dma_start3A_670] : memref<1024xi32, #tpu.memory_space<vmem>> -> memref<128xi32, #tpu.memory_space<vmem>>
        %dma_start3A_672 = arith.constant 0 : i32
        %dma_start3A_673 = arith.constant 0 : i32
        %dma_start3A_674 = tpu.memref_slice %arg3[%dma_start3A_672, %dma_start3A_673] : memref<28996x32xf32, #tpu.memory_space<hbm>> -> memref<28996x32xf32, #tpu.memory_space<hbm>>
        %dma_start3A_675 = tpu.memref_slice %arg8[%dma_start3A_659] : memref<2x!tpu.dma_semaphore, #tpu.memory_space<semaphore_mem>> -> memref<1x!tpu.dma_semaphore, #tpu.memory_space<semaphore_mem>>
        %dma_start3A_676 = tpu.memref_squeeze %dma_start3A_675 : memref<1x!tpu.dma_semaphore, #tpu.memory_space<semaphore_mem>> -> memref<!tpu.dma_semaphore, #tpu.memory_space<semaphore_mem>>
        tpu.enqueue_indirect_dma source(%dma_start3A_674 : memref<28996x32xf32, #tpu.memory_space<hbm>>) target(%dma_start3A_666 : memref<128x32xf32, #tpu.memory_space<vmem>>) offsets(%dma_start3A_671 : memref<128xi32, #tpu.memory_space<vmem>>) semaphore(%dma_start3A_676 : memref<!tpu.dma_semaphore, #tpu.memory_space<semaphore_mem>>)
        %dma_start3A_677 = arith.constant 1 : i32
        %dma_start3A_678 = arith.constant 1 : i32
        %dma_start3A_679 = arith.constant 1 : i32
        %dma_start3A_680 = arith.constant 0 : i32
        %dma_start3A_681 = arith.constant 0 : i32
        %dma_start3A_682 = tpu.memref_slice %arg6[%dma_start3A_678, %dma_start3A_680, %dma_start3A_681] : memref<2x1024x32xf32, #tpu.memory_space<vmem>> -> memref<1x1024x32xf32, #tpu.memory_space<vmem>>
        %dma_start3A_683 = tpu.memref_squeeze %dma_start3A_682 : memref<1x1024x32xf32, #tpu.memory_space<vmem>> -> memref<1024x32xf32, #tpu.memory_space<vmem>>
        %dma_start3A_684 = arith.constant 128 : i32
        %dma_start3A_685 = arith.constant 0 : i32
        %dma_start3A_686 = tpu.memref_slice %dma_start3A_683[%dma_start3A_684, %dma_start3A_685] : memref<1024x32xf32, #tpu.memory_space<vmem>> -> memref<128x32xf32, #tpu.memory_space<vmem>>
        %dma_start3A_687 = arith.constant 0 : i32
        %dma_start3A_688 = tpu.memref_slice %arg5[%dma_start3A_677, %dma_start3A_687] : memref<2x1024xi32, #tpu.memory_space<vmem>> -> memref<1x1024xi32, #tpu.memory_space<vmem>>
        %dma_start3A_689 = tpu.memref_squeeze %dma_start3A_688 : memref<1x1024xi32, #tpu.memory_space<vmem>> -> memref<1024xi32, #tpu.memory_space<vmem>>
        %dma_start3A_690 = arith.constant 128 : i32
        %dma_start3A_691 = tpu.memref_slice %dma_start3A_689[%dma_start3A_690] : memref<1024xi32, #tpu.memory_space<vmem>> -> memref<128xi32, #tpu.memory_space<vmem>>
        %dma_start3A_692 = arith.constant 0 : i32
        %dma_start3A_693 = arith.constant 0 : i32
        %dma_start3A_694 = tpu.memref_slice %arg3[%dma_start3A_692, %dma_start3A_693] : memref<28996x32xf32, #tpu.memory_space<hbm>> -> memref<28996x32xf32, #tpu.memory_space<hbm>>
        %dma_start3A_695 = tpu.memref_slice %arg8[%dma_start3A_679] : memref<2x!tpu.dma_semaphore, #tpu.memory_space<semaphore_mem>> -> memref<1x!tpu.dma_semaphore, #tpu.memory_space<semaphore_mem>>
        %dma_start3A_696 = tpu.memref_squeeze %dma_start3A_695 : memref<1x!tpu.dma_semaphore, #tpu.memory_space<semaphore_mem>> -> memref<!tpu.dma_semaphore, #tpu.memory_space<semaphore_mem>>
        tpu.enqueue_indirect_dma source(%dma_start3A_694 : memref<28996x32xf32, #tpu.memory_space<hbm>>) target(%dma_start3A_686 : memref<128x32xf32, #tpu.memory_space<vmem>>) offsets(%dma_start3A_691 : memref<128xi32, #tpu.memory_space<vmem>>) semaphore(%dma_start3A_696 : memref<!tpu.dma_semaphore, #tpu.memory_space<semaphore_mem>>)
        %dma_start3A_697 = arith.constant 1 : i32
        %dma_start3A_698 = arith.constant 1 : i32
        %dma_start3A_699 = arith.constant 1 : i32
        %dma_start3A_700 = arith.constant 0 : i32
        %dma_start3A_701 = arith.constant 0 : i32
        %dma_start3A_702 = tpu.memref_slice %arg6[%dma_start3A_698, %dma_start3A_700, %dma_start3A_701] : memref<2x1024x32xf32, #tpu.memory_space<vmem>> -> memref<1x1024x32xf32, #tpu.memory_space<vmem>>
        %dma_start3A_703 = tpu.memref_squeeze %dma_start3A_702 : memref<1x1024x32xf32, #tpu.memory_space<vmem>> -> memref<1024x32xf32, #tpu.memory_space<vmem>>
        %dma_start3A_704 = arith.constant 256 : i32
        %dma_start3A_705 = arith.constant 0 : i32
        %dma_start3A_706 = tpu.memref_slice %dma_start3A_703[%dma_start3A_704, %dma_start3A_705] : memref<1024x32xf32, #tpu.memory_space<vmem>> -> memref<128x32xf32, #tpu.memory_space<vmem>>
        %dma_start3A_707 = arith.constant 0 : i32
        %dma_start3A_708 = tpu.memref_slice %arg5[%dma_start3A_697, %dma_start3A_707] : memref<2x1024xi32, #tpu.memory_space<vmem>> -> memref<1x1024xi32, #tpu.memory_space<vmem>>
        %dma_start3A_709 = tpu.memref_squeeze %dma_start3A_708 : memref<1x1024xi32, #tpu.memory_space<vmem>> -> memref<1024xi32, #tpu.memory_space<vmem>>
        %dma_start3A_710 = arith.constant 256 : i32
        %dma_start3A_711 = tpu.memref_slice %dma_start3A_709[%dma_start3A_710] : memref<1024xi32, #tpu.memory_space<vmem>> -> memref<128xi32, #tpu.memory_space<vmem>>
        %dma_start3A_712 = arith.constant 0 : i32
        %dma_start3A_713 = arith.constant 0 : i32
        %dma_start3A_714 = tpu.memref_slice %arg3[%dma_start3A_712, %dma_start3A_713] : memref<28996x32xf32, #tpu.memory_space<hbm>> -> memref<28996x32xf32, #tpu.memory_space<hbm>>
        %dma_start3A_715 = tpu.memref_slice %arg8[%dma_start3A_699] : memref<2x!tpu.dma_semaphore, #tpu.memory_space<semaphore_mem>> -> memref<1x!tpu.dma_semaphore, #tpu.memory_space<semaphore_mem>>
        %dma_start3A_716 = tpu.memref_squeeze %dma_start3A_715 : memref<1x!tpu.dma_semaphore, #tpu.memory_space<semaphore_mem>> -> memref<!tpu.dma_semaphore, #tpu.memory_space<semaphore_mem>>
        tpu.enqueue_indirect_dma source(%dma_start3A_714 : memref<28996x32xf32, #tpu.memory_space<hbm>>) target(%dma_start3A_706 : memref<128x32xf32, #tpu.memory_space<vmem>>) offsets(%dma_start3A_711 : memref<128xi32, #tpu.memory_space<vmem>>) semaphore(%dma_start3A_716 : memref<!tpu.dma_semaphore, #tpu.memory_space<semaphore_mem>>)
        %dma_start3A_717 = arith.constant 1 : i32
        %dma_start3A_718 = arith.constant 1 : i32
        %dma_start3A_719 = arith.constant 1 : i32
        %dma_start3A_720 = arith.constant 0 : i32
        %dma_start3A_721 = arith.constant 0 : i32
        %dma_start3A_722 = tpu.memref_slice %arg6[%dma_start3A_718, %dma_start3A_720, %dma_start3A_721] : memref<2x1024x32xf32, #tpu.memory_space<vmem>> -> memref<1x1024x32xf32, #tpu.memory_space<vmem>>
        %dma_start3A_723 = tpu.memref_squeeze %dma_start3A_722 : memref<1x1024x32xf32, #tpu.memory_space<vmem>> -> memref<1024x32xf32, #tpu.memory_space<vmem>>
        %dma_start3A_724 = arith.constant 384 : i32
        %dma_start3A_725 = arith.constant 0 : i32
        %dma_start3A_726 = tpu.memref_slice %dma_start3A_723[%dma_start3A_724, %dma_start3A_725] : memref<1024x32xf32, #tpu.memory_space<vmem>> -> memref<128x32xf32, #tpu.memory_space<vmem>>
        %dma_start3A_727 = arith.constant 0 : i32
        %dma_start3A_728 = tpu.memref_slice %arg5[%dma_start3A_717, %dma_start3A_727] : memref<2x1024xi32, #tpu.memory_space<vmem>> -> memref<1x1024xi32, #tpu.memory_space<vmem>>
        %dma_start3A_729 = tpu.memref_squeeze %dma_start3A_728 : memref<1x1024xi32, #tpu.memory_space<vmem>> -> memref<1024xi32, #tpu.memory_space<vmem>>
        %dma_start3A_730 = arith.constant 384 : i32
        %dma_start3A_731 = tpu.memref_slice %dma_start3A_729[%dma_start3A_730] : memref<1024xi32, #tpu.memory_space<vmem>> -> memref<128xi32, #tpu.memory_space<vmem>>
        %dma_start3A_732 = arith.constant 0 : i32
        %dma_start3A_733 = arith.constant 0 : i32
        %dma_start3A_734 = tpu.memref_slice %arg3[%dma_start3A_732, %dma_start3A_733] : memref<28996x32xf32, #tpu.memory_space<hbm>> -> memref<28996x32xf32, #tpu.memory_space<hbm>>
        %dma_start3A_735 = tpu.memref_slice %arg8[%dma_start3A_719] : memref<2x!tpu.dma_semaphore, #tpu.memory_space<semaphore_mem>> -> memref<1x!tpu.dma_semaphore, #tpu.memory_space<semaphore_mem>>
        %dma_start3A_736 = tpu.memref_squeeze %dma_start3A_735 : memref<1x!tpu.dma_semaphore, #tpu.memory_space<semaphore_mem>> -> memref<!tpu.dma_semaphore, #tpu.memory_space<semaphore_mem>>
        tpu.enqueue_indirect_dma source(%dma_start3A_734 : memref<28996x32xf32, #tpu.memory_space<hbm>>) target(%dma_start3A_726 : memref<128x32xf32, #tpu.memory_space<vmem>>) offsets(%dma_start3A_731 : memref<128xi32, #tpu.memory_space<vmem>>) semaphore(%dma_start3A_736 : memref<!tpu.dma_semaphore, #tpu.memory_space<semaphore_mem>>)
        %dma_start3A_737 = arith.constant 1 : i32
        %dma_start3A_738 = arith.constant 1 : i32
        %dma_start3A_739 = arith.constant 1 : i32
        %dma_start3A_740 = arith.constant 0 : i32
        %dma_start3A_741 = arith.constant 0 : i32
        %dma_start3A_742 = tpu.memref_slice %arg6[%dma_start3A_738, %dma_start3A_740, %dma_start3A_741] : memref<2x1024x32xf32, #tpu.memory_space<vmem>> -> memref<1x1024x32xf32, #tpu.memory_space<vmem>>
        %dma_start3A_743 = tpu.memref_squeeze %dma_start3A_742 : memref<1x1024x32xf32, #tpu.memory_space<vmem>> -> memref<1024x32xf32, #tpu.memory_space<vmem>>
        %dma_start3A_744 = arith.constant 512 : i32
        %dma_start3A_745 = arith.constant 0 : i32
        %dma_start3A_746 = tpu.memref_slice %dma_start3A_743[%dma_start3A_744, %dma_start3A_745] : memref<1024x32xf32, #tpu.memory_space<vmem>> -> memref<128x32xf32, #tpu.memory_space<vmem>>
        %dma_start3A_747 = arith.constant 0 : i32
        %dma_start3A_748 = tpu.memref_slice %arg5[%dma_start3A_737, %dma_start3A_747] : memref<2x1024xi32, #tpu.memory_space<vmem>> -> memref<1x1024xi32, #tpu.memory_space<vmem>>
        %dma_start3A_749 = tpu.memref_squeeze %dma_start3A_748 : memref<1x1024xi32, #tpu.memory_space<vmem>> -> memref<1024xi32, #tpu.memory_space<vmem>>
        %dma_start3A_750 = arith.constant 512 : i32
        %dma_start3A_751 = tpu.memref_slice %dma_start3A_749[%dma_start3A_750] : memref<1024xi32, #tpu.memory_space<vmem>> -> memref<128xi32, #tpu.memory_space<vmem>>
        %dma_start3A_752 = arith.constant 0 : i32
        %dma_start3A_753 = arith.constant 0 : i32
        %dma_start3A_754 = tpu.memref_slice %arg3[%dma_start3A_752, %dma_start3A_753] : memref<28996x32xf32, #tpu.memory_space<hbm>> -> memref<28996x32xf32, #tpu.memory_space<hbm>>
        %dma_start3A_755 = tpu.memref_slice %arg8[%dma_start3A_739] : memref<2x!tpu.dma_semaphore, #tpu.memory_space<semaphore_mem>> -> memref<1x!tpu.dma_semaphore, #tpu.memory_space<semaphore_mem>>
        %dma_start3A_756 = tpu.memref_squeeze %dma_start3A_755 : memref<1x!tpu.dma_semaphore, #tpu.memory_space<semaphore_mem>> -> memref<!tpu.dma_semaphore, #tpu.memory_space<semaphore_mem>>
        tpu.enqueue_indirect_dma source(%dma_start3A_754 : memref<28996x32xf32, #tpu.memory_space<hbm>>) target(%dma_start3A_746 : memref<128x32xf32, #tpu.memory_space<vmem>>) offsets(%dma_start3A_751 : memref<128xi32, #tpu.memory_space<vmem>>) semaphore(%dma_start3A_756 : memref<!tpu.dma_semaphore, #tpu.memory_space<semaphore_mem>>)
        %dma_start3A_757 = arith.constant 1 : i32
        %dma_start3A_758 = arith.constant 1 : i32
        %dma_start3A_759 = arith.constant 1 : i32
        %dma_start3A_760 = arith.constant 0 : i32
        %dma_start3A_761 = arith.constant 0 : i32
        %dma_start3A_762 = tpu.memref_slice %arg6[%dma_start3A_758, %dma_start3A_760, %dma_start3A_761] : memref<2x1024x32xf32, #tpu.memory_space<vmem>> -> memref<1x1024x32xf32, #tpu.memory_space<vmem>>
        %dma_start3A_763 = tpu.memref_squeeze %dma_start3A_762 : memref<1x1024x32xf32, #tpu.memory_space<vmem>> -> memref<1024x32xf32, #tpu.memory_space<vmem>>
        %dma_start3A_764 = arith.constant 640 : i32
        %dma_start3A_765 = arith.constant 0 : i32
        %dma_start3A_766 = tpu.memref_slice %dma_start3A_763[%dma_start3A_764, %dma_start3A_765] : memref<1024x32xf32, #tpu.memory_space<vmem>> -> memref<128x32xf32, #tpu.memory_space<vmem>>
        %dma_start3A_767 = arith.constant 0 : i32
        %dma_start3A_768 = tpu.memref_slice %arg5[%dma_start3A_757, %dma_start3A_767] : memref<2x1024xi32, #tpu.memory_space<vmem>> -> memref<1x1024xi32, #tpu.memory_space<vmem>>
        %dma_start3A_769 = tpu.memref_squeeze %dma_start3A_768 : memref<1x1024xi32, #tpu.memory_space<vmem>> -> memref<1024xi32, #tpu.memory_space<vmem>>
        %dma_start3A_770 = arith.constant 640 : i32
        %dma_start3A_771 = tpu.memref_slice %dma_start3A_769[%dma_start3A_770] : memref<1024xi32, #tpu.memory_space<vmem>> -> memref<128xi32, #tpu.memory_space<vmem>>
        %dma_start3A_772 = arith.constant 0 : i32
        %dma_start3A_773 = arith.constant 0 : i32
        %dma_start3A_774 = tpu.memref_slice %arg3[%dma_start3A_772, %dma_start3A_773] : memref<28996x32xf32, #tpu.memory_space<hbm>> -> memref<28996x32xf32, #tpu.memory_space<hbm>>
        %dma_start3A_775 = tpu.memref_slice %arg8[%dma_start3A_759] : memref<2x!tpu.dma_semaphore, #tpu.memory_space<semaphore_mem>> -> memref<1x!tpu.dma_semaphore, #tpu.memory_space<semaphore_mem>>
        %dma_start3A_776 = tpu.memref_squeeze %dma_start3A_775 : memref<1x!tpu.dma_semaphore, #tpu.memory_space<semaphore_mem>> -> memref<!tpu.dma_semaphore, #tpu.memory_space<semaphore_mem>>
        tpu.enqueue_indirect_dma source(%dma_start3A_774 : memref<28996x32xf32, #tpu.memory_space<hbm>>) target(%dma_start3A_766 : memref<128x32xf32, #tpu.memory_space<vmem>>) offsets(%dma_start3A_771 : memref<128xi32, #tpu.memory_space<vmem>>) semaphore(%dma_start3A_776 : memref<!tpu.dma_semaphore, #tpu.memory_space<semaphore_mem>>)
        %dma_start3A_777 = arith.constant 1 : i32
        %dma_start3A_778 = arith.constant 1 : i32
        %dma_start3A_779 = arith.constant 1 : i32
        %dma_start3A_780 = arith.constant 0 : i32
        %dma_start3A_781 = arith.constant 0 : i32
        %dma_start3A_782 = tpu.memref_slice %arg6[%dma_start3A_778, %dma_start3A_780, %dma_start3A_781] : memref<2x1024x32xf32, #tpu.memory_space<vmem>> -> memref<1x1024x32xf32, #tpu.memory_space<vmem>>
        %dma_start3A_783 = tpu.memref_squeeze %dma_start3A_782 : memref<1x1024x32xf32, #tpu.memory_space<vmem>> -> memref<1024x32xf32, #tpu.memory_space<vmem>>
        %dma_start3A_784 = arith.constant 768 : i32
        %dma_start3A_785 = arith.constant 0 : i32
        %dma_start3A_786 = tpu.memref_slice %dma_start3A_783[%dma_start3A_784, %dma_start3A_785] : memref<1024x32xf32, #tpu.memory_space<vmem>> -> memref<128x32xf32, #tpu.memory_space<vmem>>
        %dma_start3A_787 = arith.constant 0 : i32
        %dma_start3A_788 = tpu.memref_slice %arg5[%dma_start3A_777, %dma_start3A_787] : memref<2x1024xi32, #tpu.memory_space<vmem>> -> memref<1x1024xi32, #tpu.memory_space<vmem>>
        %dma_start3A_789 = tpu.memref_squeeze %dma_start3A_788 : memref<1x1024xi32, #tpu.memory_space<vmem>> -> memref<1024xi32, #tpu.memory_space<vmem>>
        %dma_start3A_790 = arith.constant 768 : i32
        %dma_start3A_791 = tpu.memref_slice %dma_start3A_789[%dma_start3A_790] : memref<1024xi32, #tpu.memory_space<vmem>> -> memref<128xi32, #tpu.memory_space<vmem>>
        %dma_start3A_792 = arith.constant 0 : i32
        %dma_start3A_793 = arith.constant 0 : i32
        %dma_start3A_794 = tpu.memref_slice %arg3[%dma_start3A_792, %dma_start3A_793] : memref<28996x32xf32, #tpu.memory_space<hbm>> -> memref<28996x32xf32, #tpu.memory_space<hbm>>
        %dma_start3A_795 = tpu.memref_slice %arg8[%dma_start3A_779] : memref<2x!tpu.dma_semaphore, #tpu.memory_space<semaphore_mem>> -> memref<1x!tpu.dma_semaphore, #tpu.memory_space<semaphore_mem>>
        %dma_start3A_796 = tpu.memref_squeeze %dma_start3A_795 : memref<1x!tpu.dma_semaphore, #tpu.memory_space<semaphore_mem>> -> memref<!tpu.dma_semaphore, #tpu.memory_space<semaphore_mem>>
        tpu.enqueue_indirect_dma source(%dma_start3A_794 : memref<28996x32xf32, #tpu.memory_space<hbm>>) target(%dma_start3A_786 : memref<128x32xf32, #tpu.memory_space<vmem>>) offsets(%dma_start3A_791 : memref<128xi32, #tpu.memory_space<vmem>>) semaphore(%dma_start3A_796 : memref<!tpu.dma_semaphore, #tpu.memory_space<semaphore_mem>>)
        %dma_start3A_797 = arith.constant 1 : i32
        %dma_start3A_798 = arith.constant 1 : i32
        %dma_start3A_799 = arith.constant 1 : i32
        %dma_start3A_800 = arith.constant 0 : i32
        %dma_start3A_801 = arith.constant 0 : i32
        %dma_start3A_802 = tpu.memref_slice %arg6[%dma_start3A_798, %dma_start3A_800, %dma_start3A_801] : memref<2x1024x32xf32, #tpu.memory_space<vmem>> -> memref<1x1024x32xf32, #tpu.memory_space<vmem>>
        %dma_start3A_803 = tpu.memref_squeeze %dma_start3A_802 : memref<1x1024x32xf32, #tpu.memory_space<vmem>> -> memref<1024x32xf32, #tpu.memory_space<vmem>>
        %dma_start3A_804 = arith.constant 896 : i32
        %dma_start3A_805 = arith.constant 0 : i32
        %dma_start3A_806 = tpu.memref_slice %dma_start3A_803[%dma_start3A_804, %dma_start3A_805] : memref<1024x32xf32, #tpu.memory_space<vmem>> -> memref<128x32xf32, #tpu.memory_space<vmem>>
        %dma_start3A_807 = arith.constant 0 : i32
        %dma_start3A_808 = tpu.memref_slice %arg5[%dma_start3A_797, %dma_start3A_807] : memref<2x1024xi32, #tpu.memory_space<vmem>> -> memref<1x1024xi32, #tpu.memory_space<vmem>>
        %dma_start3A_809 = tpu.memref_squeeze %dma_start3A_808 : memref<1x1024xi32, #tpu.memory_space<vmem>> -> memref<1024xi32, #tpu.memory_space<vmem>>
        %dma_start3A_810 = arith.constant 896 : i32
        %dma_start3A_811 = tpu.memref_slice %dma_start3A_809[%dma_start3A_810] : memref<1024xi32, #tpu.memory_space<vmem>> -> memref<128xi32, #tpu.memory_space<vmem>>
        %dma_start3A_812 = arith.constant 0 : i32
        %dma_start3A_813 = arith.constant 0 : i32
        %dma_start3A_814 = tpu.memref_slice %arg3[%dma_start3A_812, %dma_start3A_813] : memref<28996x32xf32, #tpu.memory_space<hbm>> -> memref<28996x32xf32, #tpu.memory_space<hbm>>
        %dma_start3A_815 = tpu.memref_slice %arg8[%dma_start3A_799] : memref<2x!tpu.dma_semaphore, #tpu.memory_space<semaphore_mem>> -> memref<1x!tpu.dma_semaphore, #tpu.memory_space<semaphore_mem>>
        %dma_start3A_816 = tpu.memref_squeeze %dma_start3A_815 : memref<1x!tpu.dma_semaphore, #tpu.memory_space<semaphore_mem>> -> memref<!tpu.dma_semaphore, #tpu.memory_space<semaphore_mem>>
        tpu.enqueue_indirect_dma source(%dma_start3A_814 : memref<28996x32xf32, #tpu.memory_space<hbm>>) target(%dma_start3A_806 : memref<128x32xf32, #tpu.memory_space<vmem>>) offsets(%dma_start3A_811 : memref<128xi32, #tpu.memory_space<vmem>>) semaphore(%dma_start3A_816 : memref<!tpu.dma_semaphore, #tpu.memory_space<semaphore_mem>>)
      } else {
      }
      %dma_wait3A_253 = arith.constant 0 : i32
      %dma_wait3A_254 = arith.constant 0 : i32
      %dma_wait3A_255 = arith.constant 0 : i32
      %dma_wait3A_256 = arith.constant 0 : i32
      %dma_wait3A_257 = arith.constant 0 : i32
      %dma_wait3A_258 = tpu.memref_slice %arg6[%dma_wait3A_254, %dma_wait3A_256, %dma_wait3A_257] : memref<2x1024x32xf32, #tpu.memory_space<vmem>> -> memref<1x1024x32xf32, #tpu.memory_space<vmem>>
      %dma_wait3A_259 = tpu.memref_squeeze %dma_wait3A_258 : memref<1x1024x32xf32, #tpu.memory_space<vmem>> -> memref<1024x32xf32, #tpu.memory_space<vmem>>
      %dma_wait3A_260 = arith.constant 0 : i32
      %dma_wait3A_261 = arith.constant 0 : i32
      %dma_wait3A_262 = tpu.memref_slice %dma_wait3A_259[%dma_wait3A_260, %dma_wait3A_261] : memref<1024x32xf32, #tpu.memory_space<vmem>> -> memref<128x32xf32, #tpu.memory_space<vmem>>
      %dma_wait3A_263 = arith.constant 0 : i32
      %dma_wait3A_264 = tpu.memref_slice %arg5[%dma_wait3A_253, %dma_wait3A_263] : memref<2x1024xi32, #tpu.memory_space<vmem>> -> memref<1x1024xi32, #tpu.memory_space<vmem>>
      %dma_wait3A_265 = tpu.memref_squeeze %dma_wait3A_264 : memref<1x1024xi32, #tpu.memory_space<vmem>> -> memref<1024xi32, #tpu.memory_space<vmem>>
      %dma_wait3A_266 = arith.constant 0 : i32
      %dma_wait3A_267 = tpu.memref_slice %dma_wait3A_265[%dma_wait3A_266] : memref<1024xi32, #tpu.memory_space<vmem>> -> memref<128xi32, #tpu.memory_space<vmem>>
      %dma_wait3A_268 = arith.constant 0 : i32
      %dma_wait3A_269 = arith.constant 0 : i32
      %dma_wait3A_270 = tpu.memref_slice %arg3[%dma_wait3A_268, %dma_wait3A_269] : memref<28996x32xf32, #tpu.memory_space<hbm>> -> memref<28996x32xf32, #tpu.memory_space<hbm>>
      %dma_wait3A_271 = tpu.memref_slice %arg8[%dma_wait3A_255] : memref<2x!tpu.dma_semaphore, #tpu.memory_space<semaphore_mem>> -> memref<1x!tpu.dma_semaphore, #tpu.memory_space<semaphore_mem>>
      %dma_wait3A_272 = tpu.memref_squeeze %dma_wait3A_271 : memref<1x!tpu.dma_semaphore, #tpu.memory_space<semaphore_mem>> -> memref<!tpu.dma_semaphore, #tpu.memory_space<semaphore_mem>>
      tpu.wait_indirect_dma semaphore(%dma_wait3A_272 : memref<!tpu.dma_semaphore, #tpu.memory_space<semaphore_mem>>) src(%dma_wait3A_270 : memref<28996x32xf32, #tpu.memory_space<hbm>>) dst(%dma_wait3A_262 : memref<128x32xf32, #tpu.memory_space<vmem>>)
      %dma_wait3A_273 = arith.constant 0 : i32
      %dma_wait3A_274 = arith.constant 0 : i32
      %dma_wait3A_275 = arith.constant 0 : i32
      %dma_wait3A_276 = arith.constant 0 : i32
      %dma_wait3A_277 = arith.constant 0 : i32
      %dma_wait3A_278 = tpu.memref_slice %arg6[%dma_wait3A_274, %dma_wait3A_276, %dma_wait3A_277] : memref<2x1024x32xf32, #tpu.memory_space<vmem>> -> memref<1x1024x32xf32, #tpu.memory_space<vmem>>
      %dma_wait3A_279 = tpu.memref_squeeze %dma_wait3A_278 : memref<1x1024x32xf32, #tpu.memory_space<vmem>> -> memref<1024x32xf32, #tpu.memory_space<vmem>>
      %dma_wait3A_280 = arith.constant 128 : i32
      %dma_wait3A_281 = arith.constant 0 : i32
      %dma_wait3A_282 = tpu.memref_slice %dma_wait3A_279[%dma_wait3A_280, %dma_wait3A_281] : memref<1024x32xf32, #tpu.memory_space<vmem>> -> memref<128x32xf32, #tpu.memory_space<vmem>>
      %dma_wait3A_283 = arith.constant 0 : i32
      %dma_wait3A_284 = tpu.memref_slice %arg5[%dma_wait3A_273, %dma_wait3A_283] : memref<2x1024xi32, #tpu.memory_space<vmem>> -> memref<1x1024xi32, #tpu.memory_space<vmem>>
      %dma_wait3A_285 = tpu.memref_squeeze %dma_wait3A_284 : memref<1x1024xi32, #tpu.memory_space<vmem>> -> memref<1024xi32, #tpu.memory_space<vmem>>
      %dma_wait3A_286 = arith.constant 128 : i32
      %dma_wait3A_287 = tpu.memref_slice %dma_wait3A_285[%dma_wait3A_286] : memref<1024xi32, #tpu.memory_space<vmem>> -> memref<128xi32, #tpu.memory_space<vmem>>
      %dma_wait3A_288 = arith.constant 0 : i32
      %dma_wait3A_289 = arith.constant 0 : i32
      %dma_wait3A_290 = tpu.memref_slice %arg3[%dma_wait3A_288, %dma_wait3A_289] : memref<28996x32xf32, #tpu.memory_space<hbm>> -> memref<28996x32xf32, #tpu.memory_space<hbm>>
      %dma_wait3A_291 = tpu.memref_slice %arg8[%dma_wait3A_275] : memref<2x!tpu.dma_semaphore, #tpu.memory_space<semaphore_mem>> -> memref<1x!tpu.dma_semaphore, #tpu.memory_space<semaphore_mem>>
      %dma_wait3A_292 = tpu.memref_squeeze %dma_wait3A_291 : memref<1x!tpu.dma_semaphore, #tpu.memory_space<semaphore_mem>> -> memref<!tpu.dma_semaphore, #tpu.memory_space<semaphore_mem>>
      tpu.wait_indirect_dma semaphore(%dma_wait3A_292 : memref<!tpu.dma_semaphore, #tpu.memory_space<semaphore_mem>>) src(%dma_wait3A_290 : memref<28996x32xf32, #tpu.memory_space<hbm>>) dst(%dma_wait3A_282 : memref<128x32xf32, #tpu.memory_space<vmem>>)
      %dma_wait3A_293 = arith.constant 0 : i32
      %dma_wait3A_294 = arith.constant 0 : i32
      %dma_wait3A_295 = arith.constant 0 : i32
      %dma_wait3A_296 = arith.constant 0 : i32
      %dma_wait3A_297 = arith.constant 0 : i32
      %dma_wait3A_298 = tpu.memref_slice %arg6[%dma_wait3A_294, %dma_wait3A_296, %dma_wait3A_297] : memref<2x1024x32xf32, #tpu.memory_space<vmem>> -> memref<1x1024x32xf32, #tpu.memory_space<vmem>>
      %dma_wait3A_299 = tpu.memref_squeeze %dma_wait3A_298 : memref<1x1024x32xf32, #tpu.memory_space<vmem>> -> memref<1024x32xf32, #tpu.memory_space<vmem>>
      %dma_wait3A_300 = arith.constant 256 : i32
      %dma_wait3A_301 = arith.constant 0 : i32
      %dma_wait3A_302 = tpu.memref_slice %dma_wait3A_299[%dma_wait3A_300, %dma_wait3A_301] : memref<1024x32xf32, #tpu.memory_space<vmem>> -> memref<128x32xf32, #tpu.memory_space<vmem>>
      %dma_wait3A_303 = arith.constant 0 : i32
      %dma_wait3A_304 = tpu.memref_slice %arg5[%dma_wait3A_293, %dma_wait3A_303] : memref<2x1024xi32, #tpu.memory_space<vmem>> -> memref<1x1024xi32, #tpu.memory_space<vmem>>
      %dma_wait3A_305 = tpu.memref_squeeze %dma_wait3A_304 : memref<1x1024xi32, #tpu.memory_space<vmem>> -> memref<1024xi32, #tpu.memory_space<vmem>>
      %dma_wait3A_306 = arith.constant 256 : i32
      %dma_wait3A_307 = tpu.memref_slice %dma_wait3A_305[%dma_wait3A_306] : memref<1024xi32, #tpu.memory_space<vmem>> -> memref<128xi32, #tpu.memory_space<vmem>>
      %dma_wait3A_308 = arith.constant 0 : i32
      %dma_wait3A_309 = arith.constant 0 : i32
      %dma_wait3A_310 = tpu.memref_slice %arg3[%dma_wait3A_308, %dma_wait3A_309] : memref<28996x32xf32, #tpu.memory_space<hbm>> -> memref<28996x32xf32, #tpu.memory_space<hbm>>
      %dma_wait3A_311 = tpu.memref_slice %arg8[%dma_wait3A_295] : memref<2x!tpu.dma_semaphore, #tpu.memory_space<semaphore_mem>> -> memref<1x!tpu.dma_semaphore, #tpu.memory_space<semaphore_mem>>
      %dma_wait3A_312 = tpu.memref_squeeze %dma_wait3A_311 : memref<1x!tpu.dma_semaphore, #tpu.memory_space<semaphore_mem>> -> memref<!tpu.dma_semaphore, #tpu.memory_space<semaphore_mem>>
      tpu.wait_indirect_dma semaphore(%dma_wait3A_312 : memref<!tpu.dma_semaphore, #tpu.memory_space<semaphore_mem>>) src(%dma_wait3A_310 : memref<28996x32xf32, #tpu.memory_space<hbm>>) dst(%dma_wait3A_302 : memref<128x32xf32, #tpu.memory_space<vmem>>)
      %dma_wait3A_313 = arith.constant 0 : i32
      %dma_wait3A_314 = arith.constant 0 : i32
      %dma_wait3A_315 = arith.constant 0 : i32
      %dma_wait3A_316 = arith.constant 0 : i32
      %dma_wait3A_317 = arith.constant 0 : i32
      %dma_wait3A_318 = tpu.memref_slice %arg6[%dma_wait3A_314, %dma_wait3A_316, %dma_wait3A_317] : memref<2x1024x32xf32, #tpu.memory_space<vmem>> -> memref<1x1024x32xf32, #tpu.memory_space<vmem>>
      %dma_wait3A_319 = tpu.memref_squeeze %dma_wait3A_318 : memref<1x1024x32xf32, #tpu.memory_space<vmem>> -> memref<1024x32xf32, #tpu.memory_space<vmem>>
      %dma_wait3A_320 = arith.constant 384 : i32
      %dma_wait3A_321 = arith.constant 0 : i32
      %dma_wait3A_322 = tpu.memref_slice %dma_wait3A_319[%dma_wait3A_320, %dma_wait3A_321] : memref<1024x32xf32, #tpu.memory_space<vmem>> -> memref<128x32xf32, #tpu.memory_space<vmem>>
      %dma_wait3A_323 = arith.constant 0 : i32
      %dma_wait3A_324 = tpu.memref_slice %arg5[%dma_wait3A_313, %dma_wait3A_323] : memref<2x1024xi32, #tpu.memory_space<vmem>> -> memref<1x1024xi32, #tpu.memory_space<vmem>>
      %dma_wait3A_325 = tpu.memref_squeeze %dma_wait3A_324 : memref<1x1024xi32, #tpu.memory_space<vmem>> -> memref<1024xi32, #tpu.memory_space<vmem>>
      %dma_wait3A_326 = arith.constant 384 : i32
      %dma_wait3A_327 = tpu.memref_slice %dma_wait3A_325[%dma_wait3A_326] : memref<1024xi32, #tpu.memory_space<vmem>> -> memref<128xi32, #tpu.memory_space<vmem>>
      %dma_wait3A_328 = arith.constant 0 : i32
      %dma_wait3A_329 = arith.constant 0 : i32
      %dma_wait3A_330 = tpu.memref_slice %arg3[%dma_wait3A_328, %dma_wait3A_329] : memref<28996x32xf32, #tpu.memory_space<hbm>> -> memref<28996x32xf32, #tpu.memory_space<hbm>>
      %dma_wait3A_331 = tpu.memref_slice %arg8[%dma_wait3A_315] : memref<2x!tpu.dma_semaphore, #tpu.memory_space<semaphore_mem>> -> memref<1x!tpu.dma_semaphore, #tpu.memory_space<semaphore_mem>>
      %dma_wait3A_332 = tpu.memref_squeeze %dma_wait3A_331 : memref<1x!tpu.dma_semaphore, #tpu.memory_space<semaphore_mem>> -> memref<!tpu.dma_semaphore, #tpu.memory_space<semaphore_mem>>
      tpu.wait_indirect_dma semaphore(%dma_wait3A_332 : memref<!tpu.dma_semaphore, #tpu.memory_space<semaphore_mem>>) src(%dma_wait3A_330 : memref<28996x32xf32, #tpu.memory_space<hbm>>) dst(%dma_wait3A_322 : memref<128x32xf32, #tpu.memory_space<vmem>>)
      %dma_wait3A_333 = arith.constant 0 : i32
      %dma_wait3A_334 = arith.constant 0 : i32
      %dma_wait3A_335 = arith.constant 0 : i32
      %dma_wait3A_336 = arith.constant 0 : i32
      %dma_wait3A_337 = arith.constant 0 : i32
      %dma_wait3A_338 = tpu.memref_slice %arg6[%dma_wait3A_334, %dma_wait3A_336, %dma_wait3A_337] : memref<2x1024x32xf32, #tpu.memory_space<vmem>> -> memref<1x1024x32xf32, #tpu.memory_space<vmem>>
      %dma_wait3A_339 = tpu.memref_squeeze %dma_wait3A_338 : memref<1x1024x32xf32, #tpu.memory_space<vmem>> -> memref<1024x32xf32, #tpu.memory_space<vmem>>
      %dma_wait3A_340 = arith.constant 512 : i32
      %dma_wait3A_341 = arith.constant 0 : i32
      %dma_wait3A_342 = tpu.memref_slice %dma_wait3A_339[%dma_wait3A_340, %dma_wait3A_341] : memref<1024x32xf32, #tpu.memory_space<vmem>> -> memref<128x32xf32, #tpu.memory_space<vmem>>
      %dma_wait3A_343 = arith.constant 0 : i32
      %dma_wait3A_344 = tpu.memref_slice %arg5[%dma_wait3A_333, %dma_wait3A_343] : memref<2x1024xi32, #tpu.memory_space<vmem>> -> memref<1x1024xi32, #tpu.memory_space<vmem>>
      %dma_wait3A_345 = tpu.memref_squeeze %dma_wait3A_344 : memref<1x1024xi32, #tpu.memory_space<vmem>> -> memref<1024xi32, #tpu.memory_space<vmem>>
      %dma_wait3A_346 = arith.constant 512 : i32
      %dma_wait3A_347 = tpu.memref_slice %dma_wait3A_345[%dma_wait3A_346] : memref<1024xi32, #tpu.memory_space<vmem>> -> memref<128xi32, #tpu.memory_space<vmem>>
      %dma_wait3A_348 = arith.constant 0 : i32
      %dma_wait3A_349 = arith.constant 0 : i32
      %dma_wait3A_350 = tpu.memref_slice %arg3[%dma_wait3A_348, %dma_wait3A_349] : memref<28996x32xf32, #tpu.memory_space<hbm>> -> memref<28996x32xf32, #tpu.memory_space<hbm>>
      %dma_wait3A_351 = tpu.memref_slice %arg8[%dma_wait3A_335] : memref<2x!tpu.dma_semaphore, #tpu.memory_space<semaphore_mem>> -> memref<1x!tpu.dma_semaphore, #tpu.memory_space<semaphore_mem>>
      %dma_wait3A_352 = tpu.memref_squeeze %dma_wait3A_351 : memref<1x!tpu.dma_semaphore, #tpu.memory_space<semaphore_mem>> -> memref<!tpu.dma_semaphore, #tpu.memory_space<semaphore_mem>>
      tpu.wait_indirect_dma semaphore(%dma_wait3A_352 : memref<!tpu.dma_semaphore, #tpu.memory_space<semaphore_mem>>) src(%dma_wait3A_350 : memref<28996x32xf32, #tpu.memory_space<hbm>>) dst(%dma_wait3A_342 : memref<128x32xf32, #tpu.memory_space<vmem>>)
      %dma_wait3A_353 = arith.constant 0 : i32
      %dma_wait3A_354 = arith.constant 0 : i32
      %dma_wait3A_355 = arith.constant 0 : i32
      %dma_wait3A_356 = arith.constant 0 : i32
      %dma_wait3A_357 = arith.constant 0 : i32
      %dma_wait3A_358 = tpu.memref_slice %arg6[%dma_wait3A_354, %dma_wait3A_356, %dma_wait3A_357] : memref<2x1024x32xf32, #tpu.memory_space<vmem>> -> memref<1x1024x32xf32, #tpu.memory_space<vmem>>
      %dma_wait3A_359 = tpu.memref_squeeze %dma_wait3A_358 : memref<1x1024x32xf32, #tpu.memory_space<vmem>> -> memref<1024x32xf32, #tpu.memory_space<vmem>>
      %dma_wait3A_360 = arith.constant 640 : i32
      %dma_wait3A_361 = arith.constant 0 : i32
      %dma_wait3A_362 = tpu.memref_slice %dma_wait3A_359[%dma_wait3A_360, %dma_wait3A_361] : memref<1024x32xf32, #tpu.memory_space<vmem>> -> memref<128x32xf32, #tpu.memory_space<vmem>>
      %dma_wait3A_363 = arith.constant 0 : i32
      %dma_wait3A_364 = tpu.memref_slice %arg5[%dma_wait3A_353, %dma_wait3A_363] : memref<2x1024xi32, #tpu.memory_space<vmem>> -> memref<1x1024xi32, #tpu.memory_space<vmem>>
      %dma_wait3A_365 = tpu.memref_squeeze %dma_wait3A_364 : memref<1x1024xi32, #tpu.memory_space<vmem>> -> memref<1024xi32, #tpu.memory_space<vmem>>
      %dma_wait3A_366 = arith.constant 640 : i32
      %dma_wait3A_367 = tpu.memref_slice %dma_wait3A_365[%dma_wait3A_366] : memref<1024xi32, #tpu.memory_space<vmem>> -> memref<128xi32, #tpu.memory_space<vmem>>
      %dma_wait3A_368 = arith.constant 0 : i32
      %dma_wait3A_369 = arith.constant 0 : i32
      %dma_wait3A_370 = tpu.memref_slice %arg3[%dma_wait3A_368, %dma_wait3A_369] : memref<28996x32xf32, #tpu.memory_space<hbm>> -> memref<28996x32xf32, #tpu.memory_space<hbm>>
      %dma_wait3A_371 = tpu.memref_slice %arg8[%dma_wait3A_355] : memref<2x!tpu.dma_semaphore, #tpu.memory_space<semaphore_mem>> -> memref<1x!tpu.dma_semaphore, #tpu.memory_space<semaphore_mem>>
      %dma_wait3A_372 = tpu.memref_squeeze %dma_wait3A_371 : memref<1x!tpu.dma_semaphore, #tpu.memory_space<semaphore_mem>> -> memref<!tpu.dma_semaphore, #tpu.memory_space<semaphore_mem>>
      tpu.wait_indirect_dma semaphore(%dma_wait3A_372 : memref<!tpu.dma_semaphore, #tpu.memory_space<semaphore_mem>>) src(%dma_wait3A_370 : memref<28996x32xf32, #tpu.memory_space<hbm>>) dst(%dma_wait3A_362 : memref<128x32xf32, #tpu.memory_space<vmem>>)
      %dma_wait3A_373 = arith.constant 0 : i32
      %dma_wait3A_374 = arith.constant 0 : i32
      %dma_wait3A_375 = arith.constant 0 : i32
      %dma_wait3A_376 = arith.constant 0 : i32
      %dma_wait3A_377 = arith.constant 0 : i32
      %dma_wait3A_378 = tpu.memref_slice %arg6[%dma_wait3A_374, %dma_wait3A_376, %dma_wait3A_377] : memref<2x1024x32xf32, #tpu.memory_space<vmem>> -> memref<1x1024x32xf32, #tpu.memory_space<vmem>>
      %dma_wait3A_379 = tpu.memref_squeeze %dma_wait3A_378 : memref<1x1024x32xf32, #tpu.memory_space<vmem>> -> memref<1024x32xf32, #tpu.memory_space<vmem>>
      %dma_wait3A_380 = arith.constant 768 : i32
      %dma_wait3A_381 = arith.constant 0 : i32
      %dma_wait3A_382 = tpu.memref_slice %dma_wait3A_379[%dma_wait3A_380, %dma_wait3A_381] : memref<1024x32xf32, #tpu.memory_space<vmem>> -> memref<128x32xf32, #tpu.memory_space<vmem>>
      %dma_wait3A_383 = arith.constant 0 : i32
      %dma_wait3A_384 = tpu.memref_slice %arg5[%dma_wait3A_373, %dma_wait3A_383] : memref<2x1024xi32, #tpu.memory_space<vmem>> -> memref<1x1024xi32, #tpu.memory_space<vmem>>
      %dma_wait3A_385 = tpu.memref_squeeze %dma_wait3A_384 : memref<1x1024xi32, #tpu.memory_space<vmem>> -> memref<1024xi32, #tpu.memory_space<vmem>>
      %dma_wait3A_386 = arith.constant 768 : i32
      %dma_wait3A_387 = tpu.memref_slice %dma_wait3A_385[%dma_wait3A_386] : memref<1024xi32, #tpu.memory_space<vmem>> -> memref<128xi32, #tpu.memory_space<vmem>>
      %dma_wait3A_388 = arith.constant 0 : i32
      %dma_wait3A_389 = arith.constant 0 : i32
      %dma_wait3A_390 = tpu.memref_slice %arg3[%dma_wait3A_388, %dma_wait3A_389] : memref<28996x32xf32, #tpu.memory_space<hbm>> -> memref<28996x32xf32, #tpu.memory_space<hbm>>
      %dma_wait3A_391 = tpu.memref_slice %arg8[%dma_wait3A_375] : memref<2x!tpu.dma_semaphore, #tpu.memory_space<semaphore_mem>> -> memref<1x!tpu.dma_semaphore, #tpu.memory_space<semaphore_mem>>
      %dma_wait3A_392 = tpu.memref_squeeze %dma_wait3A_391 : memref<1x!tpu.dma_semaphore, #tpu.memory_space<semaphore_mem>> -> memref<!tpu.dma_semaphore, #tpu.memory_space<semaphore_mem>>
      tpu.wait_indirect_dma semaphore(%dma_wait3A_392 : memref<!tpu.dma_semaphore, #tpu.memory_space<semaphore_mem>>) src(%dma_wait3A_390 : memref<28996x32xf32, #tpu.memory_space<hbm>>) dst(%dma_wait3A_382 : memref<128x32xf32, #tpu.memory_space<vmem>>)
      %dma_wait3A_393 = arith.constant 0 : i32
      %dma_wait3A_394 = arith.constant 0 : i32
      %dma_wait3A_395 = arith.constant 0 : i32
      %dma_wait3A_396 = arith.constant 0 : i32
      %dma_wait3A_397 = arith.constant 0 : i32
      %dma_wait3A_398 = tpu.memref_slice %arg6[%dma_wait3A_394, %dma_wait3A_396, %dma_wait3A_397] : memref<2x1024x32xf32, #tpu.memory_space<vmem>> -> memref<1x1024x32xf32, #tpu.memory_space<vmem>>
      %dma_wait3A_399 = tpu.memref_squeeze %dma_wait3A_398 : memref<1x1024x32xf32, #tpu.memory_space<vmem>> -> memref<1024x32xf32, #tpu.memory_space<vmem>>
      %dma_wait3A_400 = arith.constant 896 : i32
      %dma_wait3A_401 = arith.constant 0 : i32
      %dma_wait3A_402 = tpu.memref_slice %dma_wait3A_399[%dma_wait3A_400, %dma_wait3A_401] : memref<1024x32xf32, #tpu.memory_space<vmem>> -> memref<128x32xf32, #tpu.memory_space<vmem>>
      %dma_wait3A_403 = arith.constant 0 : i32
      %dma_wait3A_404 = tpu.memref_slice %arg5[%dma_wait3A_393, %dma_wait3A_403] : memref<2x1024xi32, #tpu.memory_space<vmem>> -> memref<1x1024xi32, #tpu.memory_space<vmem>>
      %dma_wait3A_405 = tpu.memref_squeeze %dma_wait3A_404 : memref<1x1024xi32, #tpu.memory_space<vmem>> -> memref<1024xi32, #tpu.memory_space<vmem>>
      %dma_wait3A_406 = arith.constant 896 : i32
      %dma_wait3A_407 = tpu.memref_slice %dma_wait3A_405[%dma_wait3A_406] : memref<1024xi32, #tpu.memory_space<vmem>> -> memref<128xi32, #tpu.memory_space<vmem>>
      %dma_wait3A_408 = arith.constant 0 : i32
      %dma_wait3A_409 = arith.constant 0 : i32
      %dma_wait3A_410 = tpu.memref_slice %arg3[%dma_wait3A_408, %dma_wait3A_409] : memref<28996x32xf32, #tpu.memory_space<hbm>> -> memref<28996x32xf32, #tpu.memory_space<hbm>>
      %dma_wait3A_411 = tpu.memref_slice %arg8[%dma_wait3A_395] : memref<2x!tpu.dma_semaphore, #tpu.memory_space<semaphore_mem>> -> memref<1x!tpu.dma_semaphore, #tpu.memory_space<semaphore_mem>>
      %dma_wait3A_412 = tpu.memref_squeeze %dma_wait3A_411 : memref<1x!tpu.dma_semaphore, #tpu.memory_space<semaphore_mem>> -> memref<!tpu.dma_semaphore, #tpu.memory_space<semaphore_mem>>
      tpu.wait_indirect_dma semaphore(%dma_wait3A_412 : memref<!tpu.dma_semaphore, #tpu.memory_space<semaphore_mem>>) src(%dma_wait3A_410 : memref<28996x32xf32, #tpu.memory_space<hbm>>) dst(%dma_wait3A_402 : memref<128x32xf32, #tpu.memory_space<vmem>>)
      %mul3A_413 = arith.constant 1024 : i32
      %mul3A_414 = arith.muli %add3A_248, %mul3A_413 : i32
      %add3A_415 = arith.addi %mul3A_2, %mul3A_414 : i32
      %dma_start3A_416 = arith.constant 0 : i32
      %dma_start3A_417 = arith.constant 0 : i32
      %dma_start3A_418 = arith.constant 0 : i32
      %dma_start3A_419 = arith.constant 0 : i32
      %dma_start3A_420 = tpu.memref_slice %arg6[%dma_start3A_416, %dma_start3A_418, %dma_start3A_419] : memref<2x1024x32xf32, #tpu.memory_space<vmem>> -> memref<1x1024x32xf32, #tpu.memory_space<vmem>>
      %dma_start3A_421 = tpu.memref_squeeze %dma_start3A_420 : memref<1x1024x32xf32, #tpu.memory_space<vmem>> -> memref<1024x32xf32, #tpu.memory_space<vmem>>
      %dma_start3A_422 = arith.constant 0 : i32
      %dma_start3A_423 = tpu.memref_slice %arg4[%add3A_415, %dma_start3A_422] : memref<1638400x32xf32, #tpu.memory_space<hbm>> -> memref<1024x32xf32, #tpu.memory_space<hbm>>
      %dma_start3A_424 = tpu.memref_slice %arg9[%dma_start3A_417] : memref<2x!tpu.dma_semaphore, #tpu.memory_space<semaphore_mem>> -> memref<1x!tpu.dma_semaphore, #tpu.memory_space<semaphore_mem>>
      %dma_start3A_425 = tpu.memref_squeeze %dma_start3A_424 : memref<1x!tpu.dma_semaphore, #tpu.memory_space<semaphore_mem>> -> memref<!tpu.dma_semaphore, #tpu.memory_space<semaphore_mem>>
      %dma_start3A_426 = arith.constant 0 : i32
      %dma_start3A_427 = tpu.memref_slice %arg4[%add3A_415, %dma_start3A_426] : memref<1638400x32xf32, #tpu.memory_space<hbm>> -> memref<1024x32xf32, #tpu.memory_space<hbm>>
      %dma_start3A_428 = arith.constant 0 : i32
      %dma_start3A_429 = arith.constant 0 : i32
      %dma_start3A_430 = tpu.memref_slice %arg6[%dma_start3A_416, %dma_start3A_428, %dma_start3A_429] : memref<2x1024x32xf32, #tpu.memory_space<vmem>> -> memref<1x1024x32xf32, #tpu.memory_space<vmem>>
      %dma_start3A_431 = tpu.memref_squeeze %dma_start3A_430 : memref<1x1024x32xf32, #tpu.memory_space<vmem>> -> memref<1024x32xf32, #tpu.memory_space<vmem>>
      tpu.enqueue_dma source(%dma_start3A_431 : memref<1024x32xf32, #tpu.memory_space<vmem>>) target(%dma_start3A_427 : memref<1024x32xf32, #tpu.memory_space<hbm>>) target_semaphore(%dma_start3A_425 : memref<!tpu.dma_semaphore, #tpu.memory_space<semaphore_mem>>)
      %add3A_432 = arith.constant 2 : i32
      %add3A_433 = arith.addi %add3A_248, %add3A_432 : i32
      %lt3A_434 = arith.constant 50 : i32
      %lt3A_435 = arith.cmpi slt, %add3A_433, %lt3A_434 : i32
      %convert_element_type3A_436 = arith.extui %lt3A_435 : i1 to i32
      %cond3A_437 = arith.constant 0 : i32
      %cond3A_438 = arith.cmpi ne, %convert_element_type3A_436, %cond3A_437 : i32
      scf.if %cond3A_438 {
        %add3A_636 = arith.constant 2 : i32
        %add3A_637 = arith.addi %add3A_248, %add3A_636 : i32
        %mul3A_638 = arith.constant 1024 : i32
        %mul3A_639 = arith.muli %add3A_637, %mul3A_638 : i32
        %add3A_640 = arith.addi %mul3A_2, %mul3A_639 : i32
        %dma_start3A_641 = arith.constant 0 : i32
        %dma_start3A_642 = arith.constant 0 : i32
        %dma_start3A_643 = arith.constant 0 : i32
        %dma_start3A_644 = tpu.memref_slice %arg5[%dma_start3A_641, %dma_start3A_643] : memref<2x1024xi32, #tpu.memory_space<vmem>> -> memref<1x1024xi32, #tpu.memory_space<vmem>>
        %dma_start3A_645 = tpu.memref_squeeze %dma_start3A_644 : memref<1x1024xi32, #tpu.memory_space<vmem>> -> memref<1024xi32, #tpu.memory_space<vmem>>
        %dma_start3A_646 = tpu.memref_slice %arg2[%add3A_640] : memref<1638400xi32, #tpu.memory_space<hbm>> -> memref<1024xi32, #tpu.memory_space<hbm>>
        %dma_start3A_647 = tpu.memref_slice %arg7[%dma_start3A_642] : memref<2x!tpu.dma_semaphore, #tpu.memory_space<semaphore_mem>> -> memref<1x!tpu.dma_semaphore, #tpu.memory_space<semaphore_mem>>
        %dma_start3A_648 = tpu.memref_squeeze %dma_start3A_647 : memref<1x!tpu.dma_semaphore, #tpu.memory_space<semaphore_mem>> -> memref<!tpu.dma_semaphore, #tpu.memory_space<semaphore_mem>>
        %dma_start3A_649 = arith.constant 0 : i32
        %dma_start3A_650 = tpu.memref_slice %arg5[%dma_start3A_641, %dma_start3A_649] : memref<2x1024xi32, #tpu.memory_space<vmem>> -> memref<1x1024xi32, #tpu.memory_space<vmem>>
        %dma_start3A_651 = tpu.memref_squeeze %dma_start3A_650 : memref<1x1024xi32, #tpu.memory_space<vmem>> -> memref<1024xi32, #tpu.memory_space<vmem>>
        %dma_start3A_652 = tpu.memref_slice %arg2[%add3A_640] : memref<1638400xi32, #tpu.memory_space<hbm>> -> memref<1024xi32, #tpu.memory_space<hbm>>
        tpu.enqueue_dma source(%dma_start3A_652 : memref<1024xi32, #tpu.memory_space<hbm>>) target(%dma_start3A_651 : memref<1024xi32, #tpu.memory_space<vmem>>) target_semaphore(%dma_start3A_648 : memref<!tpu.dma_semaphore, #tpu.memory_space<semaphore_mem>>)
      } else {
      }
      %mul3A_439 = arith.constant 2 : i32
      %mul3A_440 = arith.muli %mul3A_439, %scan3A_244 : i32
      %add3A_441 = arith.constant 1 : i32
      %add3A_442 = arith.addi %mul3A_440, %add3A_441 : i32
      %add3A_443 = arith.constant 1 : i32
      %add3A_444 = arith.addi %add3A_442, %add3A_443 : i32
      %lt3A_445 = arith.constant 50 : i32
      %lt3A_446 = arith.cmpi slt, %add3A_444, %lt3A_445 : i32
      %convert_element_type3A_447 = arith.extui %lt3A_446 : i1 to i32
      %cond3A_448 = arith.constant 0 : i32
      %cond3A_449 = arith.cmpi ne, %convert_element_type3A_447, %cond3A_448 : i32
      scf.if %cond3A_449 {
        %add3A_636 = arith.constant 1 : i32
        %add3A_637 = arith.addi %add3A_442, %add3A_636 : i32
        %mul3A_638 = arith.constant 1024 : i32
        %mul3A_639 = arith.muli %add3A_637, %mul3A_638 : i32
        %add3A_640 = arith.addi %mul3A_2, %mul3A_639 : i32
        %dma_wait3A_641 = arith.constant 0 : i32
        %dma_wait3A_642 = arith.constant 0 : i32
        %dma_wait3A_643 = arith.constant 0 : i32
        %dma_wait3A_644 = tpu.memref_slice %arg5[%dma_wait3A_641, %dma_wait3A_643] : memref<2x1024xi32, #tpu.memory_space<vmem>> -> memref<1x1024xi32, #tpu.memory_space<vmem>>
        %dma_wait3A_645 = tpu.memref_squeeze %dma_wait3A_644 : memref<1x1024xi32, #tpu.memory_space<vmem>> -> memref<1024xi32, #tpu.memory_space<vmem>>
        %dma_wait3A_646 = tpu.memref_slice %arg2[%add3A_640] : memref<1638400xi32, #tpu.memory_space<hbm>> -> memref<1024xi32, #tpu.memory_space<hbm>>
        %dma_wait3A_647 = tpu.memref_slice %arg7[%dma_wait3A_642] : memref<2x!tpu.dma_semaphore, #tpu.memory_space<semaphore_mem>> -> memref<1x!tpu.dma_semaphore, #tpu.memory_space<semaphore_mem>>
        %dma_wait3A_648 = tpu.memref_squeeze %dma_wait3A_647 : memref<1x!tpu.dma_semaphore, #tpu.memory_space<semaphore_mem>> -> memref<!tpu.dma_semaphore, #tpu.memory_space<semaphore_mem>>
        %dma_wait3A_649 = arith.constant 0 : i32
        %dma_wait3A_650 = tpu.memref_slice %arg5[%dma_wait3A_641, %dma_wait3A_649] : memref<2x1024xi32, #tpu.memory_space<vmem>> -> memref<1x1024xi32, #tpu.memory_space<vmem>>
        %dma_wait3A_651 = tpu.memref_squeeze %dma_wait3A_650 : memref<1x1024xi32, #tpu.memory_space<vmem>> -> memref<1024xi32, #tpu.memory_space<vmem>>
        %dma_wait3A_652 = tpu.memref_slice %arg2[%add3A_640] : memref<1638400xi32, #tpu.memory_space<hbm>> -> memref<1024xi32, #tpu.memory_space<hbm>>
        tpu.wait_dma2 semaphore(%dma_wait3A_648 : memref<!tpu.dma_semaphore, #tpu.memory_space<semaphore_mem>>) src(%dma_wait3A_652 : memref<1024xi32, #tpu.memory_space<hbm>>) dst(%dma_wait3A_651 : memref<1024xi32, #tpu.memory_space<vmem>>)
        %ge3A = arith.constant 1 : i32
        %ge3A_653 = arith.cmpi sge, %add3A_442, %ge3A : i32
        %convert_element_type3A_654 = arith.extui %ge3A_653 : i1 to i32
        %cond3A_655 = arith.constant 0 : i32
        %cond3A_656 = arith.cmpi ne, %convert_element_type3A_654, %cond3A_655 : i32
        scf.if %cond3A_656 {
          %sub3A = arith.constant 1 : i32
          %sub3A_817 = arith.subi %add3A_442, %sub3A : i32
          %mul3A_818 = arith.constant 1024 : i32
          %mul3A_819 = arith.muli %sub3A_817, %mul3A_818 : i32
          %add3A_820 = arith.addi %mul3A_2, %mul3A_819 : i32
          %dma_wait3A_821 = arith.constant 0 : i32
          %dma_wait3A_822 = arith.constant 0 : i32
          %dma_wait3A_823 = arith.constant 0 : i32
          %dma_wait3A_824 = arith.constant 0 : i32
          %dma_wait3A_825 = tpu.memref_slice %arg6[%dma_wait3A_821, %dma_wait3A_823, %dma_wait3A_824] : memref<2x1024x32xf32, #tpu.memory_space<vmem>> -> memref<1x1024x32xf32, #tpu.memory_space<vmem>>
          %dma_wait3A_826 = tpu.memref_squeeze %dma_wait3A_825 : memref<1x1024x32xf32, #tpu.memory_space<vmem>> -> memref<1024x32xf32, #tpu.memory_space<vmem>>
          %dma_wait3A_827 = arith.constant 0 : i32
          %dma_wait3A_828 = tpu.memref_slice %arg4[%add3A_820, %dma_wait3A_827] : memref<1638400x32xf32, #tpu.memory_space<hbm>> -> memref<1024x32xf32, #tpu.memory_space<hbm>>
          %dma_wait3A_829 = tpu.memref_slice %arg9[%dma_wait3A_822] : memref<2x!tpu.dma_semaphore, #tpu.memory_space<semaphore_mem>> -> memref<1x!tpu.dma_semaphore, #tpu.memory_space<semaphore_mem>>
          %dma_wait3A_830 = tpu.memref_squeeze %dma_wait3A_829 : memref<1x!tpu.dma_semaphore, #tpu.memory_space<semaphore_mem>> -> memref<!tpu.dma_semaphore, #tpu.memory_space<semaphore_mem>>
          %dma_wait3A_831 = arith.constant 0 : i32
          %dma_wait3A_832 = tpu.memref_slice %arg4[%add3A_820, %dma_wait3A_831] : memref<1638400x32xf32, #tpu.memory_space<hbm>> -> memref<1024x32xf32, #tpu.memory_space<hbm>>
          %dma_wait3A_833 = arith.constant 0 : i32
          %dma_wait3A_834 = arith.constant 0 : i32
          %dma_wait3A_835 = tpu.memref_slice %arg6[%dma_wait3A_821, %dma_wait3A_833, %dma_wait3A_834] : memref<2x1024x32xf32, #tpu.memory_space<vmem>> -> memref<1x1024x32xf32, #tpu.memory_space<vmem>>
          %dma_wait3A_836 = tpu.memref_squeeze %dma_wait3A_835 : memref<1x1024x32xf32, #tpu.memory_space<vmem>> -> memref<1024x32xf32, #tpu.memory_space<vmem>>
          tpu.wait_dma2 semaphore(%dma_wait3A_830 : memref<!tpu.dma_semaphore, #tpu.memory_space<semaphore_mem>>) src(%dma_wait3A_836 : memref<1024x32xf32, #tpu.memory_space<vmem>>) dst(%dma_wait3A_832 : memref<1024x32xf32, #tpu.memory_space<hbm>>)
        } else {
        }
        %dma_start3A_657 = arith.constant 0 : i32
        %dma_start3A_658 = arith.constant 0 : i32
        %dma_start3A_659 = arith.constant 0 : i32
        %dma_start3A_660 = arith.constant 0 : i32
        %dma_start3A_661 = arith.constant 0 : i32
        %dma_start3A_662 = tpu.memref_slice %arg6[%dma_start3A_658, %dma_start3A_660, %dma_start3A_661] : memref<2x1024x32xf32, #tpu.memory_space<vmem>> -> memref<1x1024x32xf32, #tpu.memory_space<vmem>>
        %dma_start3A_663 = tpu.memref_squeeze %dma_start3A_662 : memref<1x1024x32xf32, #tpu.memory_space<vmem>> -> memref<1024x32xf32, #tpu.memory_space<vmem>>
        %dma_start3A_664 = arith.constant 0 : i32
        %dma_start3A_665 = arith.constant 0 : i32
        %dma_start3A_666 = tpu.memref_slice %dma_start3A_663[%dma_start3A_664, %dma_start3A_665] : memref<1024x32xf32, #tpu.memory_space<vmem>> -> memref<128x32xf32, #tpu.memory_space<vmem>>
        %dma_start3A_667 = arith.constant 0 : i32
        %dma_start3A_668 = tpu.memref_slice %arg5[%dma_start3A_657, %dma_start3A_667] : memref<2x1024xi32, #tpu.memory_space<vmem>> -> memref<1x1024xi32, #tpu.memory_space<vmem>>
        %dma_start3A_669 = tpu.memref_squeeze %dma_start3A_668 : memref<1x1024xi32, #tpu.memory_space<vmem>> -> memref<1024xi32, #tpu.memory_space<vmem>>
        %dma_start3A_670 = arith.constant 0 : i32
        %dma_start3A_671 = tpu.memref_slice %dma_start3A_669[%dma_start3A_670] : memref<1024xi32, #tpu.memory_space<vmem>> -> memref<128xi32, #tpu.memory_space<vmem>>
        %dma_start3A_672 = arith.constant 0 : i32
        %dma_start3A_673 = arith.constant 0 : i32
        %dma_start3A_674 = tpu.memref_slice %arg3[%dma_start3A_672, %dma_start3A_673] : memref<28996x32xf32, #tpu.memory_space<hbm>> -> memref<28996x32xf32, #tpu.memory_space<hbm>>
        %dma_start3A_675 = tpu.memref_slice %arg8[%dma_start3A_659] : memref<2x!tpu.dma_semaphore, #tpu.memory_space<semaphore_mem>> -> memref<1x!tpu.dma_semaphore, #tpu.memory_space<semaphore_mem>>
        %dma_start3A_676 = tpu.memref_squeeze %dma_start3A_675 : memref<1x!tpu.dma_semaphore, #tpu.memory_space<semaphore_mem>> -> memref<!tpu.dma_semaphore, #tpu.memory_space<semaphore_mem>>
        tpu.enqueue_indirect_dma source(%dma_start3A_674 : memref<28996x32xf32, #tpu.memory_space<hbm>>) target(%dma_start3A_666 : memref<128x32xf32, #tpu.memory_space<vmem>>) offsets(%dma_start3A_671 : memref<128xi32, #tpu.memory_space<vmem>>) semaphore(%dma_start3A_676 : memref<!tpu.dma_semaphore, #tpu.memory_space<semaphore_mem>>)
        %dma_start3A_677 = arith.constant 0 : i32
        %dma_start3A_678 = arith.constant 0 : i32
        %dma_start3A_679 = arith.constant 0 : i32
        %dma_start3A_680 = arith.constant 0 : i32
        %dma_start3A_681 = arith.constant 0 : i32
        %dma_start3A_682 = tpu.memref_slice %arg6[%dma_start3A_678, %dma_start3A_680, %dma_start3A_681] : memref<2x1024x32xf32, #tpu.memory_space<vmem>> -> memref<1x1024x32xf32, #tpu.memory_space<vmem>>
        %dma_start3A_683 = tpu.memref_squeeze %dma_start3A_682 : memref<1x1024x32xf32, #tpu.memory_space<vmem>> -> memref<1024x32xf32, #tpu.memory_space<vmem>>
        %dma_start3A_684 = arith.constant 128 : i32
        %dma_start3A_685 = arith.constant 0 : i32
        %dma_start3A_686 = tpu.memref_slice %dma_start3A_683[%dma_start3A_684, %dma_start3A_685] : memref<1024x32xf32, #tpu.memory_space<vmem>> -> memref<128x32xf32, #tpu.memory_space<vmem>>
        %dma_start3A_687 = arith.constant 0 : i32
        %dma_start3A_688 = tpu.memref_slice %arg5[%dma_start3A_677, %dma_start3A_687] : memref<2x1024xi32, #tpu.memory_space<vmem>> -> memref<1x1024xi32, #tpu.memory_space<vmem>>
        %dma_start3A_689 = tpu.memref_squeeze %dma_start3A_688 : memref<1x1024xi32, #tpu.memory_space<vmem>> -> memref<1024xi32, #tpu.memory_space<vmem>>
        %dma_start3A_690 = arith.constant 128 : i32
        %dma_start3A_691 = tpu.memref_slice %dma_start3A_689[%dma_start3A_690] : memref<1024xi32, #tpu.memory_space<vmem>> -> memref<128xi32, #tpu.memory_space<vmem>>
        %dma_start3A_692 = arith.constant 0 : i32
        %dma_start3A_693 = arith.constant 0 : i32
        %dma_start3A_694 = tpu.memref_slice %arg3[%dma_start3A_692, %dma_start3A_693] : memref<28996x32xf32, #tpu.memory_space<hbm>> -> memref<28996x32xf32, #tpu.memory_space<hbm>>
        %dma_start3A_695 = tpu.memref_slice %arg8[%dma_start3A_679] : memref<2x!tpu.dma_semaphore, #tpu.memory_space<semaphore_mem>> -> memref<1x!tpu.dma_semaphore, #tpu.memory_space<semaphore_mem>>
        %dma_start3A_696 = tpu.memref_squeeze %dma_start3A_695 : memref<1x!tpu.dma_semaphore, #tpu.memory_space<semaphore_mem>> -> memref<!tpu.dma_semaphore, #tpu.memory_space<semaphore_mem>>
        tpu.enqueue_indirect_dma source(%dma_start3A_694 : memref<28996x32xf32, #tpu.memory_space<hbm>>) target(%dma_start3A_686 : memref<128x32xf32, #tpu.memory_space<vmem>>) offsets(%dma_start3A_691 : memref<128xi32, #tpu.memory_space<vmem>>) semaphore(%dma_start3A_696 : memref<!tpu.dma_semaphore, #tpu.memory_space<semaphore_mem>>)
        %dma_start3A_697 = arith.constant 0 : i32
        %dma_start3A_698 = arith.constant 0 : i32
        %dma_start3A_699 = arith.constant 0 : i32
        %dma_start3A_700 = arith.constant 0 : i32
        %dma_start3A_701 = arith.constant 0 : i32
        %dma_start3A_702 = tpu.memref_slice %arg6[%dma_start3A_698, %dma_start3A_700, %dma_start3A_701] : memref<2x1024x32xf32, #tpu.memory_space<vmem>> -> memref<1x1024x32xf32, #tpu.memory_space<vmem>>
        %dma_start3A_703 = tpu.memref_squeeze %dma_start3A_702 : memref<1x1024x32xf32, #tpu.memory_space<vmem>> -> memref<1024x32xf32, #tpu.memory_space<vmem>>
        %dma_start3A_704 = arith.constant 256 : i32
        %dma_start3A_705 = arith.constant 0 : i32
        %dma_start3A_706 = tpu.memref_slice %dma_start3A_703[%dma_start3A_704, %dma_start3A_705] : memref<1024x32xf32, #tpu.memory_space<vmem>> -> memref<128x32xf32, #tpu.memory_space<vmem>>
        %dma_start3A_707 = arith.constant 0 : i32
        %dma_start3A_708 = tpu.memref_slice %arg5[%dma_start3A_697, %dma_start3A_707] : memref<2x1024xi32, #tpu.memory_space<vmem>> -> memref<1x1024xi32, #tpu.memory_space<vmem>>
        %dma_start3A_709 = tpu.memref_squeeze %dma_start3A_708 : memref<1x1024xi32, #tpu.memory_space<vmem>> -> memref<1024xi32, #tpu.memory_space<vmem>>
        %dma_start3A_710 = arith.constant 256 : i32
        %dma_start3A_711 = tpu.memref_slice %dma_start3A_709[%dma_start3A_710] : memref<1024xi32, #tpu.memory_space<vmem>> -> memref<128xi32, #tpu.memory_space<vmem>>
        %dma_start3A_712 = arith.constant 0 : i32
        %dma_start3A_713 = arith.constant 0 : i32
        %dma_start3A_714 = tpu.memref_slice %arg3[%dma_start3A_712, %dma_start3A_713] : memref<28996x32xf32, #tpu.memory_space<hbm>> -> memref<28996x32xf32, #tpu.memory_space<hbm>>
        %dma_start3A_715 = tpu.memref_slice %arg8[%dma_start3A_699] : memref<2x!tpu.dma_semaphore, #tpu.memory_space<semaphore_mem>> -> memref<1x!tpu.dma_semaphore, #tpu.memory_space<semaphore_mem>>
        %dma_start3A_716 = tpu.memref_squeeze %dma_start3A_715 : memref<1x!tpu.dma_semaphore, #tpu.memory_space<semaphore_mem>> -> memref<!tpu.dma_semaphore, #tpu.memory_space<semaphore_mem>>
        tpu.enqueue_indirect_dma source(%dma_start3A_714 : memref<28996x32xf32, #tpu.memory_space<hbm>>) target(%dma_start3A_706 : memref<128x32xf32, #tpu.memory_space<vmem>>) offsets(%dma_start3A_711 : memref<128xi32, #tpu.memory_space<vmem>>) semaphore(%dma_start3A_716 : memref<!tpu.dma_semaphore, #tpu.memory_space<semaphore_mem>>)
        %dma_start3A_717 = arith.constant 0 : i32
        %dma_start3A_718 = arith.constant 0 : i32
        %dma_start3A_719 = arith.constant 0 : i32
        %dma_start3A_720 = arith.constant 0 : i32
        %dma_start3A_721 = arith.constant 0 : i32
        %dma_start3A_722 = tpu.memref_slice %arg6[%dma_start3A_718, %dma_start3A_720, %dma_start3A_721] : memref<2x1024x32xf32, #tpu.memory_space<vmem>> -> memref<1x1024x32xf32, #tpu.memory_space<vmem>>
        %dma_start3A_723 = tpu.memref_squeeze %dma_start3A_722 : memref<1x1024x32xf32, #tpu.memory_space<vmem>> -> memref<1024x32xf32, #tpu.memory_space<vmem>>
        %dma_start3A_724 = arith.constant 384 : i32
        %dma_start3A_725 = arith.constant 0 : i32
        %dma_start3A_726 = tpu.memref_slice %dma_start3A_723[%dma_start3A_724, %dma_start3A_725] : memref<1024x32xf32, #tpu.memory_space<vmem>> -> memref<128x32xf32, #tpu.memory_space<vmem>>
        %dma_start3A_727 = arith.constant 0 : i32
        %dma_start3A_728 = tpu.memref_slice %arg5[%dma_start3A_717, %dma_start3A_727] : memref<2x1024xi32, #tpu.memory_space<vmem>> -> memref<1x1024xi32, #tpu.memory_space<vmem>>
        %dma_start3A_729 = tpu.memref_squeeze %dma_start3A_728 : memref<1x1024xi32, #tpu.memory_space<vmem>> -> memref<1024xi32, #tpu.memory_space<vmem>>
        %dma_start3A_730 = arith.constant 384 : i32
        %dma_start3A_731 = tpu.memref_slice %dma_start3A_729[%dma_start3A_730] : memref<1024xi32, #tpu.memory_space<vmem>> -> memref<128xi32, #tpu.memory_space<vmem>>
        %dma_start3A_732 = arith.constant 0 : i32
        %dma_start3A_733 = arith.constant 0 : i32
        %dma_start3A_734 = tpu.memref_slice %arg3[%dma_start3A_732, %dma_start3A_733] : memref<28996x32xf32, #tpu.memory_space<hbm>> -> memref<28996x32xf32, #tpu.memory_space<hbm>>
        %dma_start3A_735 = tpu.memref_slice %arg8[%dma_start3A_719] : memref<2x!tpu.dma_semaphore, #tpu.memory_space<semaphore_mem>> -> memref<1x!tpu.dma_semaphore, #tpu.memory_space<semaphore_mem>>
        %dma_start3A_736 = tpu.memref_squeeze %dma_start3A_735 : memref<1x!tpu.dma_semaphore, #tpu.memory_space<semaphore_mem>> -> memref<!tpu.dma_semaphore, #tpu.memory_space<semaphore_mem>>
        tpu.enqueue_indirect_dma source(%dma_start3A_734 : memref<28996x32xf32, #tpu.memory_space<hbm>>) target(%dma_start3A_726 : memref<128x32xf32, #tpu.memory_space<vmem>>) offsets(%dma_start3A_731 : memref<128xi32, #tpu.memory_space<vmem>>) semaphore(%dma_start3A_736 : memref<!tpu.dma_semaphore, #tpu.memory_space<semaphore_mem>>)
        %dma_start3A_737 = arith.constant 0 : i32
        %dma_start3A_738 = arith.constant 0 : i32
        %dma_start3A_739 = arith.constant 0 : i32
        %dma_start3A_740 = arith.constant 0 : i32
        %dma_start3A_741 = arith.constant 0 : i32
        %dma_start3A_742 = tpu.memref_slice %arg6[%dma_start3A_738, %dma_start3A_740, %dma_start3A_741] : memref<2x1024x32xf32, #tpu.memory_space<vmem>> -> memref<1x1024x32xf32, #tpu.memory_space<vmem>>
        %dma_start3A_743 = tpu.memref_squeeze %dma_start3A_742 : memref<1x1024x32xf32, #tpu.memory_space<vmem>> -> memref<1024x32xf32, #tpu.memory_space<vmem>>
        %dma_start3A_744 = arith.constant 512 : i32
        %dma_start3A_745 = arith.constant 0 : i32
        %dma_start3A_746 = tpu.memref_slice %dma_start3A_743[%dma_start3A_744, %dma_start3A_745] : memref<1024x32xf32, #tpu.memory_space<vmem>> -> memref<128x32xf32, #tpu.memory_space<vmem>>
        %dma_start3A_747 = arith.constant 0 : i32
        %dma_start3A_748 = tpu.memref_slice %arg5[%dma_start3A_737, %dma_start3A_747] : memref<2x1024xi32, #tpu.memory_space<vmem>> -> memref<1x1024xi32, #tpu.memory_space<vmem>>
        %dma_start3A_749 = tpu.memref_squeeze %dma_start3A_748 : memref<1x1024xi32, #tpu.memory_space<vmem>> -> memref<1024xi32, #tpu.memory_space<vmem>>
        %dma_start3A_750 = arith.constant 512 : i32
        %dma_start3A_751 = tpu.memref_slice %dma_start3A_749[%dma_start3A_750] : memref<1024xi32, #tpu.memory_space<vmem>> -> memref<128xi32, #tpu.memory_space<vmem>>
        %dma_start3A_752 = arith.constant 0 : i32
        %dma_start3A_753 = arith.constant 0 : i32
        %dma_start3A_754 = tpu.memref_slice %arg3[%dma_start3A_752, %dma_start3A_753] : memref<28996x32xf32, #tpu.memory_space<hbm>> -> memref<28996x32xf32, #tpu.memory_space<hbm>>
        %dma_start3A_755 = tpu.memref_slice %arg8[%dma_start3A_739] : memref<2x!tpu.dma_semaphore, #tpu.memory_space<semaphore_mem>> -> memref<1x!tpu.dma_semaphore, #tpu.memory_space<semaphore_mem>>
        %dma_start3A_756 = tpu.memref_squeeze %dma_start3A_755 : memref<1x!tpu.dma_semaphore, #tpu.memory_space<semaphore_mem>> -> memref<!tpu.dma_semaphore, #tpu.memory_space<semaphore_mem>>
        tpu.enqueue_indirect_dma source(%dma_start3A_754 : memref<28996x32xf32, #tpu.memory_space<hbm>>) target(%dma_start3A_746 : memref<128x32xf32, #tpu.memory_space<vmem>>) offsets(%dma_start3A_751 : memref<128xi32, #tpu.memory_space<vmem>>) semaphore(%dma_start3A_756 : memref<!tpu.dma_semaphore, #tpu.memory_space<semaphore_mem>>)
        %dma_start3A_757 = arith.constant 0 : i32
        %dma_start3A_758 = arith.constant 0 : i32
        %dma_start3A_759 = arith.constant 0 : i32
        %dma_start3A_760 = arith.constant 0 : i32
        %dma_start3A_761 = arith.constant 0 : i32
        %dma_start3A_762 = tpu.memref_slice %arg6[%dma_start3A_758, %dma_start3A_760, %dma_start3A_761] : memref<2x1024x32xf32, #tpu.memory_space<vmem>> -> memref<1x1024x32xf32, #tpu.memory_space<vmem>>
        %dma_start3A_763 = tpu.memref_squeeze %dma_start3A_762 : memref<1x1024x32xf32, #tpu.memory_space<vmem>> -> memref<1024x32xf32, #tpu.memory_space<vmem>>
        %dma_start3A_764 = arith.constant 640 : i32
        %dma_start3A_765 = arith.constant 0 : i32
        %dma_start3A_766 = tpu.memref_slice %dma_start3A_763[%dma_start3A_764, %dma_start3A_765] : memref<1024x32xf32, #tpu.memory_space<vmem>> -> memref<128x32xf32, #tpu.memory_space<vmem>>
        %dma_start3A_767 = arith.constant 0 : i32
        %dma_start3A_768 = tpu.memref_slice %arg5[%dma_start3A_757, %dma_start3A_767] : memref<2x1024xi32, #tpu.memory_space<vmem>> -> memref<1x1024xi32, #tpu.memory_space<vmem>>
        %dma_start3A_769 = tpu.memref_squeeze %dma_start3A_768 : memref<1x1024xi32, #tpu.memory_space<vmem>> -> memref<1024xi32, #tpu.memory_space<vmem>>
        %dma_start3A_770 = arith.constant 640 : i32
        %dma_start3A_771 = tpu.memref_slice %dma_start3A_769[%dma_start3A_770] : memref<1024xi32, #tpu.memory_space<vmem>> -> memref<128xi32, #tpu.memory_space<vmem>>
        %dma_start3A_772 = arith.constant 0 : i32
        %dma_start3A_773 = arith.constant 0 : i32
        %dma_start3A_774 = tpu.memref_slice %arg3[%dma_start3A_772, %dma_start3A_773] : memref<28996x32xf32, #tpu.memory_space<hbm>> -> memref<28996x32xf32, #tpu.memory_space<hbm>>
        %dma_start3A_775 = tpu.memref_slice %arg8[%dma_start3A_759] : memref<2x!tpu.dma_semaphore, #tpu.memory_space<semaphore_mem>> -> memref<1x!tpu.dma_semaphore, #tpu.memory_space<semaphore_mem>>
        %dma_start3A_776 = tpu.memref_squeeze %dma_start3A_775 : memref<1x!tpu.dma_semaphore, #tpu.memory_space<semaphore_mem>> -> memref<!tpu.dma_semaphore, #tpu.memory_space<semaphore_mem>>
        tpu.enqueue_indirect_dma source(%dma_start3A_774 : memref<28996x32xf32, #tpu.memory_space<hbm>>) target(%dma_start3A_766 : memref<128x32xf32, #tpu.memory_space<vmem>>) offsets(%dma_start3A_771 : memref<128xi32, #tpu.memory_space<vmem>>) semaphore(%dma_start3A_776 : memref<!tpu.dma_semaphore, #tpu.memory_space<semaphore_mem>>)
        %dma_start3A_777 = arith.constant 0 : i32
        %dma_start3A_778 = arith.constant 0 : i32
        %dma_start3A_779 = arith.constant 0 : i32
        %dma_start3A_780 = arith.constant 0 : i32
        %dma_start3A_781 = arith.constant 0 : i32
        %dma_start3A_782 = tpu.memref_slice %arg6[%dma_start3A_778, %dma_start3A_780, %dma_start3A_781] : memref<2x1024x32xf32, #tpu.memory_space<vmem>> -> memref<1x1024x32xf32, #tpu.memory_space<vmem>>
        %dma_start3A_783 = tpu.memref_squeeze %dma_start3A_782 : memref<1x1024x32xf32, #tpu.memory_space<vmem>> -> memref<1024x32xf32, #tpu.memory_space<vmem>>
        %dma_start3A_784 = arith.constant 768 : i32
        %dma_start3A_785 = arith.constant 0 : i32
        %dma_start3A_786 = tpu.memref_slice %dma_start3A_783[%dma_start3A_784, %dma_start3A_785] : memref<1024x32xf32, #tpu.memory_space<vmem>> -> memref<128x32xf32, #tpu.memory_space<vmem>>
        %dma_start3A_787 = arith.constant 0 : i32
        %dma_start3A_788 = tpu.memref_slice %arg5[%dma_start3A_777, %dma_start3A_787] : memref<2x1024xi32, #tpu.memory_space<vmem>> -> memref<1x1024xi32, #tpu.memory_space<vmem>>
        %dma_start3A_789 = tpu.memref_squeeze %dma_start3A_788 : memref<1x1024xi32, #tpu.memory_space<vmem>> -> memref<1024xi32, #tpu.memory_space<vmem>>
        %dma_start3A_790 = arith.constant 768 : i32
        %dma_start3A_791 = tpu.memref_slice %dma_start3A_789[%dma_start3A_790] : memref<1024xi32, #tpu.memory_space<vmem>> -> memref<128xi32, #tpu.memory_space<vmem>>
        %dma_start3A_792 = arith.constant 0 : i32
        %dma_start3A_793 = arith.constant 0 : i32
        %dma_start3A_794 = tpu.memref_slice %arg3[%dma_start3A_792, %dma_start3A_793] : memref<28996x32xf32, #tpu.memory_space<hbm>> -> memref<28996x32xf32, #tpu.memory_space<hbm>>
        %dma_start3A_795 = tpu.memref_slice %arg8[%dma_start3A_779] : memref<2x!tpu.dma_semaphore, #tpu.memory_space<semaphore_mem>> -> memref<1x!tpu.dma_semaphore, #tpu.memory_space<semaphore_mem>>
        %dma_start3A_796 = tpu.memref_squeeze %dma_start3A_795 : memref<1x!tpu.dma_semaphore, #tpu.memory_space<semaphore_mem>> -> memref<!tpu.dma_semaphore, #tpu.memory_space<semaphore_mem>>
        tpu.enqueue_indirect_dma source(%dma_start3A_794 : memref<28996x32xf32, #tpu.memory_space<hbm>>) target(%dma_start3A_786 : memref<128x32xf32, #tpu.memory_space<vmem>>) offsets(%dma_start3A_791 : memref<128xi32, #tpu.memory_space<vmem>>) semaphore(%dma_start3A_796 : memref<!tpu.dma_semaphore, #tpu.memory_space<semaphore_mem>>)
        %dma_start3A_797 = arith.constant 0 : i32
        %dma_start3A_798 = arith.constant 0 : i32
        %dma_start3A_799 = arith.constant 0 : i32
        %dma_start3A_800 = arith.constant 0 : i32
        %dma_start3A_801 = arith.constant 0 : i32
        %dma_start3A_802 = tpu.memref_slice %arg6[%dma_start3A_798, %dma_start3A_800, %dma_start3A_801] : memref<2x1024x32xf32, #tpu.memory_space<vmem>> -> memref<1x1024x32xf32, #tpu.memory_space<vmem>>
        %dma_start3A_803 = tpu.memref_squeeze %dma_start3A_802 : memref<1x1024x32xf32, #tpu.memory_space<vmem>> -> memref<1024x32xf32, #tpu.memory_space<vmem>>
        %dma_start3A_804 = arith.constant 896 : i32
        %dma_start3A_805 = arith.constant 0 : i32
        %dma_start3A_806 = tpu.memref_slice %dma_start3A_803[%dma_start3A_804, %dma_start3A_805] : memref<1024x32xf32, #tpu.memory_space<vmem>> -> memref<128x32xf32, #tpu.memory_space<vmem>>
        %dma_start3A_807 = arith.constant 0 : i32
        %dma_start3A_808 = tpu.memref_slice %arg5[%dma_start3A_797, %dma_start3A_807] : memref<2x1024xi32, #tpu.memory_space<vmem>> -> memref<1x1024xi32, #tpu.memory_space<vmem>>
        %dma_start3A_809 = tpu.memref_squeeze %dma_start3A_808 : memref<1x1024xi32, #tpu.memory_space<vmem>> -> memref<1024xi32, #tpu.memory_space<vmem>>
        %dma_start3A_810 = arith.constant 896 : i32
        %dma_start3A_811 = tpu.memref_slice %dma_start3A_809[%dma_start3A_810] : memref<1024xi32, #tpu.memory_space<vmem>> -> memref<128xi32, #tpu.memory_space<vmem>>
        %dma_start3A_812 = arith.constant 0 : i32
        %dma_start3A_813 = arith.constant 0 : i32
        %dma_start3A_814 = tpu.memref_slice %arg3[%dma_start3A_812, %dma_start3A_813] : memref<28996x32xf32, #tpu.memory_space<hbm>> -> memref<28996x32xf32, #tpu.memory_space<hbm>>
        %dma_start3A_815 = tpu.memref_slice %arg8[%dma_start3A_799] : memref<2x!tpu.dma_semaphore, #tpu.memory_space<semaphore_mem>> -> memref<1x!tpu.dma_semaphore, #tpu.memory_space<semaphore_mem>>
        %dma_start3A_816 = tpu.memref_squeeze %dma_start3A_815 : memref<1x!tpu.dma_semaphore, #tpu.memory_space<semaphore_mem>> -> memref<!tpu.dma_semaphore, #tpu.memory_space<semaphore_mem>>
        tpu.enqueue_indirect_dma source(%dma_start3A_814 : memref<28996x32xf32, #tpu.memory_space<hbm>>) target(%dma_start3A_806 : memref<128x32xf32, #tpu.memory_space<vmem>>) offsets(%dma_start3A_811 : memref<128xi32, #tpu.memory_space<vmem>>) semaphore(%dma_start3A_816 : memref<!tpu.dma_semaphore, #tpu.memory_space<semaphore_mem>>)
      } else {
      }
      %dma_wait3A_450 = arith.constant 1 : i32
      %dma_wait3A_451 = arith.constant 1 : i32
      %dma_wait3A_452 = arith.constant 1 : i32
      %dma_wait3A_453 = arith.constant 0 : i32
      %dma_wait3A_454 = arith.constant 0 : i32
      %dma_wait3A_455 = tpu.memref_slice %arg6[%dma_wait3A_451, %dma_wait3A_453, %dma_wait3A_454] : memref<2x1024x32xf32, #tpu.memory_space<vmem>> -> memref<1x1024x32xf32, #tpu.memory_space<vmem>>
      %dma_wait3A_456 = tpu.memref_squeeze %dma_wait3A_455 : memref<1x1024x32xf32, #tpu.memory_space<vmem>> -> memref<1024x32xf32, #tpu.memory_space<vmem>>
      %dma_wait3A_457 = arith.constant 0 : i32
      %dma_wait3A_458 = arith.constant 0 : i32
      %dma_wait3A_459 = tpu.memref_slice %dma_wait3A_456[%dma_wait3A_457, %dma_wait3A_458] : memref<1024x32xf32, #tpu.memory_space<vmem>> -> memref<128x32xf32, #tpu.memory_space<vmem>>
      %dma_wait3A_460 = arith.constant 0 : i32
      %dma_wait3A_461 = tpu.memref_slice %arg5[%dma_wait3A_450, %dma_wait3A_460] : memref<2x1024xi32, #tpu.memory_space<vmem>> -> memref<1x1024xi32, #tpu.memory_space<vmem>>
      %dma_wait3A_462 = tpu.memref_squeeze %dma_wait3A_461 : memref<1x1024xi32, #tpu.memory_space<vmem>> -> memref<1024xi32, #tpu.memory_space<vmem>>
      %dma_wait3A_463 = arith.constant 0 : i32
      %dma_wait3A_464 = tpu.memref_slice %dma_wait3A_462[%dma_wait3A_463] : memref<1024xi32, #tpu.memory_space<vmem>> -> memref<128xi32, #tpu.memory_space<vmem>>
      %dma_wait3A_465 = arith.constant 0 : i32
      %dma_wait3A_466 = arith.constant 0 : i32
      %dma_wait3A_467 = tpu.memref_slice %arg3[%dma_wait3A_465, %dma_wait3A_466] : memref<28996x32xf32, #tpu.memory_space<hbm>> -> memref<28996x32xf32, #tpu.memory_space<hbm>>
      %dma_wait3A_468 = tpu.memref_slice %arg8[%dma_wait3A_452] : memref<2x!tpu.dma_semaphore, #tpu.memory_space<semaphore_mem>> -> memref<1x!tpu.dma_semaphore, #tpu.memory_space<semaphore_mem>>
      %dma_wait3A_469 = tpu.memref_squeeze %dma_wait3A_468 : memref<1x!tpu.dma_semaphore, #tpu.memory_space<semaphore_mem>> -> memref<!tpu.dma_semaphore, #tpu.memory_space<semaphore_mem>>
      tpu.wait_indirect_dma semaphore(%dma_wait3A_469 : memref<!tpu.dma_semaphore, #tpu.memory_space<semaphore_mem>>) src(%dma_wait3A_467 : memref<28996x32xf32, #tpu.memory_space<hbm>>) dst(%dma_wait3A_459 : memref<128x32xf32, #tpu.memory_space<vmem>>)
      %dma_wait3A_470 = arith.constant 1 : i32
      %dma_wait3A_471 = arith.constant 1 : i32
      %dma_wait3A_472 = arith.constant 1 : i32
      %dma_wait3A_473 = arith.constant 0 : i32
      %dma_wait3A_474 = arith.constant 0 : i32
      %dma_wait3A_475 = tpu.memref_slice %arg6[%dma_wait3A_471, %dma_wait3A_473, %dma_wait3A_474] : memref<2x1024x32xf32, #tpu.memory_space<vmem>> -> memref<1x1024x32xf32, #tpu.memory_space<vmem>>
      %dma_wait3A_476 = tpu.memref_squeeze %dma_wait3A_475 : memref<1x1024x32xf32, #tpu.memory_space<vmem>> -> memref<1024x32xf32, #tpu.memory_space<vmem>>
      %dma_wait3A_477 = arith.constant 128 : i32
      %dma_wait3A_478 = arith.constant 0 : i32
      %dma_wait3A_479 = tpu.memref_slice %dma_wait3A_476[%dma_wait3A_477, %dma_wait3A_478] : memref<1024x32xf32, #tpu.memory_space<vmem>> -> memref<128x32xf32, #tpu.memory_space<vmem>>
      %dma_wait3A_480 = arith.constant 0 : i32
      %dma_wait3A_481 = tpu.memref_slice %arg5[%dma_wait3A_470, %dma_wait3A_480] : memref<2x1024xi32, #tpu.memory_space<vmem>> -> memref<1x1024xi32, #tpu.memory_space<vmem>>
      %dma_wait3A_482 = tpu.memref_squeeze %dma_wait3A_481 : memref<1x1024xi32, #tpu.memory_space<vmem>> -> memref<1024xi32, #tpu.memory_space<vmem>>
      %dma_wait3A_483 = arith.constant 128 : i32
      %dma_wait3A_484 = tpu.memref_slice %dma_wait3A_482[%dma_wait3A_483] : memref<1024xi32, #tpu.memory_space<vmem>> -> memref<128xi32, #tpu.memory_space<vmem>>
      %dma_wait3A_485 = arith.constant 0 : i32
      %dma_wait3A_486 = arith.constant 0 : i32
      %dma_wait3A_487 = tpu.memref_slice %arg3[%dma_wait3A_485, %dma_wait3A_486] : memref<28996x32xf32, #tpu.memory_space<hbm>> -> memref<28996x32xf32, #tpu.memory_space<hbm>>
      %dma_wait3A_488 = tpu.memref_slice %arg8[%dma_wait3A_472] : memref<2x!tpu.dma_semaphore, #tpu.memory_space<semaphore_mem>> -> memref<1x!tpu.dma_semaphore, #tpu.memory_space<semaphore_mem>>
      %dma_wait3A_489 = tpu.memref_squeeze %dma_wait3A_488 : memref<1x!tpu.dma_semaphore, #tpu.memory_space<semaphore_mem>> -> memref<!tpu.dma_semaphore, #tpu.memory_space<semaphore_mem>>
      tpu.wait_indirect_dma semaphore(%dma_wait3A_489 : memref<!tpu.dma_semaphore, #tpu.memory_space<semaphore_mem>>) src(%dma_wait3A_487 : memref<28996x32xf32, #tpu.memory_space<hbm>>) dst(%dma_wait3A_479 : memref<128x32xf32, #tpu.memory_space<vmem>>)
      %dma_wait3A_490 = arith.constant 1 : i32
      %dma_wait3A_491 = arith.constant 1 : i32
      %dma_wait3A_492 = arith.constant 1 : i32
      %dma_wait3A_493 = arith.constant 0 : i32
      %dma_wait3A_494 = arith.constant 0 : i32
      %dma_wait3A_495 = tpu.memref_slice %arg6[%dma_wait3A_491, %dma_wait3A_493, %dma_wait3A_494] : memref<2x1024x32xf32, #tpu.memory_space<vmem>> -> memref<1x1024x32xf32, #tpu.memory_space<vmem>>
      %dma_wait3A_496 = tpu.memref_squeeze %dma_wait3A_495 : memref<1x1024x32xf32, #tpu.memory_space<vmem>> -> memref<1024x32xf32, #tpu.memory_space<vmem>>
      %dma_wait3A_497 = arith.constant 256 : i32
      %dma_wait3A_498 = arith.constant 0 : i32
      %dma_wait3A_499 = tpu.memref_slice %dma_wait3A_496[%dma_wait3A_497, %dma_wait3A_498] : memref<1024x32xf32, #tpu.memory_space<vmem>> -> memref<128x32xf32, #tpu.memory_space<vmem>>
      %dma_wait3A_500 = arith.constant 0 : i32
      %dma_wait3A_501 = tpu.memref_slice %arg5[%dma_wait3A_490, %dma_wait3A_500] : memref<2x1024xi32, #tpu.memory_space<vmem>> -> memref<1x1024xi32, #tpu.memory_space<vmem>>
      %dma_wait3A_502 = tpu.memref_squeeze %dma_wait3A_501 : memref<1x1024xi32, #tpu.memory_space<vmem>> -> memref<1024xi32, #tpu.memory_space<vmem>>
      %dma_wait3A_503 = arith.constant 256 : i32
      %dma_wait3A_504 = tpu.memref_slice %dma_wait3A_502[%dma_wait3A_503] : memref<1024xi32, #tpu.memory_space<vmem>> -> memref<128xi32, #tpu.memory_space<vmem>>
      %dma_wait3A_505 = arith.constant 0 : i32
      %dma_wait3A_506 = arith.constant 0 : i32
      %dma_wait3A_507 = tpu.memref_slice %arg3[%dma_wait3A_505, %dma_wait3A_506] : memref<28996x32xf32, #tpu.memory_space<hbm>> -> memref<28996x32xf32, #tpu.memory_space<hbm>>
      %dma_wait3A_508 = tpu.memref_slice %arg8[%dma_wait3A_492] : memref<2x!tpu.dma_semaphore, #tpu.memory_space<semaphore_mem>> -> memref<1x!tpu.dma_semaphore, #tpu.memory_space<semaphore_mem>>
      %dma_wait3A_509 = tpu.memref_squeeze %dma_wait3A_508 : memref<1x!tpu.dma_semaphore, #tpu.memory_space<semaphore_mem>> -> memref<!tpu.dma_semaphore, #tpu.memory_space<semaphore_mem>>
      tpu.wait_indirect_dma semaphore(%dma_wait3A_509 : memref<!tpu.dma_semaphore, #tpu.memory_space<semaphore_mem>>) src(%dma_wait3A_507 : memref<28996x32xf32, #tpu.memory_space<hbm>>) dst(%dma_wait3A_499 : memref<128x32xf32, #tpu.memory_space<vmem>>)
      %dma_wait3A_510 = arith.constant 1 : i32
      %dma_wait3A_511 = arith.constant 1 : i32
      %dma_wait3A_512 = arith.constant 1 : i32
      %dma_wait3A_513 = arith.constant 0 : i32
      %dma_wait3A_514 = arith.constant 0 : i32
      %dma_wait3A_515 = tpu.memref_slice %arg6[%dma_wait3A_511, %dma_wait3A_513, %dma_wait3A_514] : memref<2x1024x32xf32, #tpu.memory_space<vmem>> -> memref<1x1024x32xf32, #tpu.memory_space<vmem>>
      %dma_wait3A_516 = tpu.memref_squeeze %dma_wait3A_515 : memref<1x1024x32xf32, #tpu.memory_space<vmem>> -> memref<1024x32xf32, #tpu.memory_space<vmem>>
      %dma_wait3A_517 = arith.constant 384 : i32
      %dma_wait3A_518 = arith.constant 0 : i32
      %dma_wait3A_519 = tpu.memref_slice %dma_wait3A_516[%dma_wait3A_517, %dma_wait3A_518] : memref<1024x32xf32, #tpu.memory_space<vmem>> -> memref<128x32xf32, #tpu.memory_space<vmem>>
      %dma_wait3A_520 = arith.constant 0 : i32
      %dma_wait3A_521 = tpu.memref_slice %arg5[%dma_wait3A_510, %dma_wait3A_520] : memref<2x1024xi32, #tpu.memory_space<vmem>> -> memref<1x1024xi32, #tpu.memory_space<vmem>>
      %dma_wait3A_522 = tpu.memref_squeeze %dma_wait3A_521 : memref<1x1024xi32, #tpu.memory_space<vmem>> -> memref<1024xi32, #tpu.memory_space<vmem>>
      %dma_wait3A_523 = arith.constant 384 : i32
      %dma_wait3A_524 = tpu.memref_slice %dma_wait3A_522[%dma_wait3A_523] : memref<1024xi32, #tpu.memory_space<vmem>> -> memref<128xi32, #tpu.memory_space<vmem>>
      %dma_wait3A_525 = arith.constant 0 : i32
      %dma_wait3A_526 = arith.constant 0 : i32
      %dma_wait3A_527 = tpu.memref_slice %arg3[%dma_wait3A_525, %dma_wait3A_526] : memref<28996x32xf32, #tpu.memory_space<hbm>> -> memref<28996x32xf32, #tpu.memory_space<hbm>>
      %dma_wait3A_528 = tpu.memref_slice %arg8[%dma_wait3A_512] : memref<2x!tpu.dma_semaphore, #tpu.memory_space<semaphore_mem>> -> memref<1x!tpu.dma_semaphore, #tpu.memory_space<semaphore_mem>>
      %dma_wait3A_529 = tpu.memref_squeeze %dma_wait3A_528 : memref<1x!tpu.dma_semaphore, #tpu.memory_space<semaphore_mem>> -> memref<!tpu.dma_semaphore, #tpu.memory_space<semaphore_mem>>
      tpu.wait_indirect_dma semaphore(%dma_wait3A_529 : memref<!tpu.dma_semaphore, #tpu.memory_space<semaphore_mem>>) src(%dma_wait3A_527 : memref<28996x32xf32, #tpu.memory_space<hbm>>) dst(%dma_wait3A_519 : memref<128x32xf32, #tpu.memory_space<vmem>>)
      %dma_wait3A_530 = arith.constant 1 : i32
      %dma_wait3A_531 = arith.constant 1 : i32
      %dma_wait3A_532 = arith.constant 1 : i32
      %dma_wait3A_533 = arith.constant 0 : i32
      %dma_wait3A_534 = arith.constant 0 : i32
      %dma_wait3A_535 = tpu.memref_slice %arg6[%dma_wait3A_531, %dma_wait3A_533, %dma_wait3A_534] : memref<2x1024x32xf32, #tpu.memory_space<vmem>> -> memref<1x1024x32xf32, #tpu.memory_space<vmem>>
      %dma_wait3A_536 = tpu.memref_squeeze %dma_wait3A_535 : memref<1x1024x32xf32, #tpu.memory_space<vmem>> -> memref<1024x32xf32, #tpu.memory_space<vmem>>
      %dma_wait3A_537 = arith.constant 512 : i32
      %dma_wait3A_538 = arith.constant 0 : i32
      %dma_wait3A_539 = tpu.memref_slice %dma_wait3A_536[%dma_wait3A_537, %dma_wait3A_538] : memref<1024x32xf32, #tpu.memory_space<vmem>> -> memref<128x32xf32, #tpu.memory_space<vmem>>
      %dma_wait3A_540 = arith.constant 0 : i32
      %dma_wait3A_541 = tpu.memref_slice %arg5[%dma_wait3A_530, %dma_wait3A_540] : memref<2x1024xi32, #tpu.memory_space<vmem>> -> memref<1x1024xi32, #tpu.memory_space<vmem>>
      %dma_wait3A_542 = tpu.memref_squeeze %dma_wait3A_541 : memref<1x1024xi32, #tpu.memory_space<vmem>> -> memref<1024xi32, #tpu.memory_space<vmem>>
      %dma_wait3A_543 = arith.constant 512 : i32
      %dma_wait3A_544 = tpu.memref_slice %dma_wait3A_542[%dma_wait3A_543] : memref<1024xi32, #tpu.memory_space<vmem>> -> memref<128xi32, #tpu.memory_space<vmem>>
      %dma_wait3A_545 = arith.constant 0 : i32
      %dma_wait3A_546 = arith.constant 0 : i32
      %dma_wait3A_547 = tpu.memref_slice %arg3[%dma_wait3A_545, %dma_wait3A_546] : memref<28996x32xf32, #tpu.memory_space<hbm>> -> memref<28996x32xf32, #tpu.memory_space<hbm>>
      %dma_wait3A_548 = tpu.memref_slice %arg8[%dma_wait3A_532] : memref<2x!tpu.dma_semaphore, #tpu.memory_space<semaphore_mem>> -> memref<1x!tpu.dma_semaphore, #tpu.memory_space<semaphore_mem>>
      %dma_wait3A_549 = tpu.memref_squeeze %dma_wait3A_548 : memref<1x!tpu.dma_semaphore, #tpu.memory_space<semaphore_mem>> -> memref<!tpu.dma_semaphore, #tpu.memory_space<semaphore_mem>>
      tpu.wait_indirect_dma semaphore(%dma_wait3A_549 : memref<!tpu.dma_semaphore, #tpu.memory_space<semaphore_mem>>) src(%dma_wait3A_547 : memref<28996x32xf32, #tpu.memory_space<hbm>>) dst(%dma_wait3A_539 : memref<128x32xf32, #tpu.memory_space<vmem>>)
      %dma_wait3A_550 = arith.constant 1 : i32
      %dma_wait3A_551 = arith.constant 1 : i32
      %dma_wait3A_552 = arith.constant 1 : i32
      %dma_wait3A_553 = arith.constant 0 : i32
      %dma_wait3A_554 = arith.constant 0 : i32
      %dma_wait3A_555 = tpu.memref_slice %arg6[%dma_wait3A_551, %dma_wait3A_553, %dma_wait3A_554] : memref<2x1024x32xf32, #tpu.memory_space<vmem>> -> memref<1x1024x32xf32, #tpu.memory_space<vmem>>
      %dma_wait3A_556 = tpu.memref_squeeze %dma_wait3A_555 : memref<1x1024x32xf32, #tpu.memory_space<vmem>> -> memref<1024x32xf32, #tpu.memory_space<vmem>>
      %dma_wait3A_557 = arith.constant 640 : i32
      %dma_wait3A_558 = arith.constant 0 : i32
      %dma_wait3A_559 = tpu.memref_slice %dma_wait3A_556[%dma_wait3A_557, %dma_wait3A_558] : memref<1024x32xf32, #tpu.memory_space<vmem>> -> memref<128x32xf32, #tpu.memory_space<vmem>>
      %dma_wait3A_560 = arith.constant 0 : i32
      %dma_wait3A_561 = tpu.memref_slice %arg5[%dma_wait3A_550, %dma_wait3A_560] : memref<2x1024xi32, #tpu.memory_space<vmem>> -> memref<1x1024xi32, #tpu.memory_space<vmem>>
      %dma_wait3A_562 = tpu.memref_squeeze %dma_wait3A_561 : memref<1x1024xi32, #tpu.memory_space<vmem>> -> memref<1024xi32, #tpu.memory_space<vmem>>
      %dma_wait3A_563 = arith.constant 640 : i32
      %dma_wait3A_564 = tpu.memref_slice %dma_wait3A_562[%dma_wait3A_563] : memref<1024xi32, #tpu.memory_space<vmem>> -> memref<128xi32, #tpu.memory_space<vmem>>
      %dma_wait3A_565 = arith.constant 0 : i32
      %dma_wait3A_566 = arith.constant 0 : i32
      %dma_wait3A_567 = tpu.memref_slice %arg3[%dma_wait3A_565, %dma_wait3A_566] : memref<28996x32xf32, #tpu.memory_space<hbm>> -> memref<28996x32xf32, #tpu.memory_space<hbm>>
      %dma_wait3A_568 = tpu.memref_slice %arg8[%dma_wait3A_552] : memref<2x!tpu.dma_semaphore, #tpu.memory_space<semaphore_mem>> -> memref<1x!tpu.dma_semaphore, #tpu.memory_space<semaphore_mem>>
      %dma_wait3A_569 = tpu.memref_squeeze %dma_wait3A_568 : memref<1x!tpu.dma_semaphore, #tpu.memory_space<semaphore_mem>> -> memref<!tpu.dma_semaphore, #tpu.memory_space<semaphore_mem>>
      tpu.wait_indirect_dma semaphore(%dma_wait3A_569 : memref<!tpu.dma_semaphore, #tpu.memory_space<semaphore_mem>>) src(%dma_wait3A_567 : memref<28996x32xf32, #tpu.memory_space<hbm>>) dst(%dma_wait3A_559 : memref<128x32xf32, #tpu.memory_space<vmem>>)
      %dma_wait3A_570 = arith.constant 1 : i32
      %dma_wait3A_571 = arith.constant 1 : i32
      %dma_wait3A_572 = arith.constant 1 : i32
      %dma_wait3A_573 = arith.constant 0 : i32
      %dma_wait3A_574 = arith.constant 0 : i32
      %dma_wait3A_575 = tpu.memref_slice %arg6[%dma_wait3A_571, %dma_wait3A_573, %dma_wait3A_574] : memref<2x1024x32xf32, #tpu.memory_space<vmem>> -> memref<1x1024x32xf32, #tpu.memory_space<vmem>>
      %dma_wait3A_576 = tpu.memref_squeeze %dma_wait3A_575 : memref<1x1024x32xf32, #tpu.memory_space<vmem>> -> memref<1024x32xf32, #tpu.memory_space<vmem>>
      %dma_wait3A_577 = arith.constant 768 : i32
      %dma_wait3A_578 = arith.constant 0 : i32
      %dma_wait3A_579 = tpu.memref_slice %dma_wait3A_576[%dma_wait3A_577, %dma_wait3A_578] : memref<1024x32xf32, #tpu.memory_space<vmem>> -> memref<128x32xf32, #tpu.memory_space<vmem>>
      %dma_wait3A_580 = arith.constant 0 : i32
      %dma_wait3A_581 = tpu.memref_slice %arg5[%dma_wait3A_570, %dma_wait3A_580] : memref<2x1024xi32, #tpu.memory_space<vmem>> -> memref<1x1024xi32, #tpu.memory_space<vmem>>
      %dma_wait3A_582 = tpu.memref_squeeze %dma_wait3A_581 : memref<1x1024xi32, #tpu.memory_space<vmem>> -> memref<1024xi32, #tpu.memory_space<vmem>>
      %dma_wait3A_583 = arith.constant 768 : i32
      %dma_wait3A_584 = tpu.memref_slice %dma_wait3A_582[%dma_wait3A_583] : memref<1024xi32, #tpu.memory_space<vmem>> -> memref<128xi32, #tpu.memory_space<vmem>>
      %dma_wait3A_585 = arith.constant 0 : i32
      %dma_wait3A_586 = arith.constant 0 : i32
      %dma_wait3A_587 = tpu.memref_slice %arg3[%dma_wait3A_585, %dma_wait3A_586] : memref<28996x32xf32, #tpu.memory_space<hbm>> -> memref<28996x32xf32, #tpu.memory_space<hbm>>
      %dma_wait3A_588 = tpu.memref_slice %arg8[%dma_wait3A_572] : memref<2x!tpu.dma_semaphore, #tpu.memory_space<semaphore_mem>> -> memref<1x!tpu.dma_semaphore, #tpu.memory_space<semaphore_mem>>
      %dma_wait3A_589 = tpu.memref_squeeze %dma_wait3A_588 : memref<1x!tpu.dma_semaphore, #tpu.memory_space<semaphore_mem>> -> memref<!tpu.dma_semaphore, #tpu.memory_space<semaphore_mem>>
      tpu.wait_indirect_dma semaphore(%dma_wait3A_589 : memref<!tpu.dma_semaphore, #tpu.memory_space<semaphore_mem>>) src(%dma_wait3A_587 : memref<28996x32xf32, #tpu.memory_space<hbm>>) dst(%dma_wait3A_579 : memref<128x32xf32, #tpu.memory_space<vmem>>)
      %dma_wait3A_590 = arith.constant 1 : i32
      %dma_wait3A_591 = arith.constant 1 : i32
      %dma_wait3A_592 = arith.constant 1 : i32
      %dma_wait3A_593 = arith.constant 0 : i32
      %dma_wait3A_594 = arith.constant 0 : i32
      %dma_wait3A_595 = tpu.memref_slice %arg6[%dma_wait3A_591, %dma_wait3A_593, %dma_wait3A_594] : memref<2x1024x32xf32, #tpu.memory_space<vmem>> -> memref<1x1024x32xf32, #tpu.memory_space<vmem>>
      %dma_wait3A_596 = tpu.memref_squeeze %dma_wait3A_595 : memref<1x1024x32xf32, #tpu.memory_space<vmem>> -> memref<1024x32xf32, #tpu.memory_space<vmem>>
      %dma_wait3A_597 = arith.constant 896 : i32
      %dma_wait3A_598 = arith.constant 0 : i32
      %dma_wait3A_599 = tpu.memref_slice %dma_wait3A_596[%dma_wait3A_597, %dma_wait3A_598] : memref<1024x32xf32, #tpu.memory_space<vmem>> -> memref<128x32xf32, #tpu.memory_space<vmem>>
      %dma_wait3A_600 = arith.constant 0 : i32
      %dma_wait3A_601 = tpu.memref_slice %arg5[%dma_wait3A_590, %dma_wait3A_600] : memref<2x1024xi32, #tpu.memory_space<vmem>> -> memref<1x1024xi32, #tpu.memory_space<vmem>>
      %dma_wait3A_602 = tpu.memref_squeeze %dma_wait3A_601 : memref<1x1024xi32, #tpu.memory_space<vmem>> -> memref<1024xi32, #tpu.memory_space<vmem>>
      %dma_wait3A_603 = arith.constant 896 : i32
      %dma_wait3A_604 = tpu.memref_slice %dma_wait3A_602[%dma_wait3A_603] : memref<1024xi32, #tpu.memory_space<vmem>> -> memref<128xi32, #tpu.memory_space<vmem>>
      %dma_wait3A_605 = arith.constant 0 : i32
      %dma_wait3A_606 = arith.constant 0 : i32
      %dma_wait3A_607 = tpu.memref_slice %arg3[%dma_wait3A_605, %dma_wait3A_606] : memref<28996x32xf32, #tpu.memory_space<hbm>> -> memref<28996x32xf32, #tpu.memory_space<hbm>>
      %dma_wait3A_608 = tpu.memref_slice %arg8[%dma_wait3A_592] : memref<2x!tpu.dma_semaphore, #tpu.memory_space<semaphore_mem>> -> memref<1x!tpu.dma_semaphore, #tpu.memory_space<semaphore_mem>>
      %dma_wait3A_609 = tpu.memref_squeeze %dma_wait3A_608 : memref<1x!tpu.dma_semaphore, #tpu.memory_space<semaphore_mem>> -> memref<!tpu.dma_semaphore, #tpu.memory_space<semaphore_mem>>
      tpu.wait_indirect_dma semaphore(%dma_wait3A_609 : memref<!tpu.dma_semaphore, #tpu.memory_space<semaphore_mem>>) src(%dma_wait3A_607 : memref<28996x32xf32, #tpu.memory_space<hbm>>) dst(%dma_wait3A_599 : memref<128x32xf32, #tpu.memory_space<vmem>>)
      %mul3A_610 = arith.constant 1024 : i32
      %mul3A_611 = arith.muli %add3A_442, %mul3A_610 : i32
      %add3A_612 = arith.addi %mul3A_2, %mul3A_611 : i32
      %dma_start3A_613 = arith.constant 1 : i32
      %dma_start3A_614 = arith.constant 1 : i32
      %dma_start3A_615 = arith.constant 0 : i32
      %dma_start3A_616 = arith.constant 0 : i32
      %dma_start3A_617 = tpu.memref_slice %arg6[%dma_start3A_613, %dma_start3A_615, %dma_start3A_616] : memref<2x1024x32xf32, #tpu.memory_space<vmem>> -> memref<1x1024x32xf32, #tpu.memory_space<vmem>>
      %dma_start3A_618 = tpu.memref_squeeze %dma_start3A_617 : memref<1x1024x32xf32, #tpu.memory_space<vmem>> -> memref<1024x32xf32, #tpu.memory_space<vmem>>
      %dma_start3A_619 = arith.constant 0 : i32
      %dma_start3A_620 = tpu.memref_slice %arg4[%add3A_612, %dma_start3A_619] : memref<1638400x32xf32, #tpu.memory_space<hbm>> -> memref<1024x32xf32, #tpu.memory_space<hbm>>
      %dma_start3A_621 = tpu.memref_slice %arg9[%dma_start3A_614] : memref<2x!tpu.dma_semaphore, #tpu.memory_space<semaphore_mem>> -> memref<1x!tpu.dma_semaphore, #tpu.memory_space<semaphore_mem>>
      %dma_start3A_622 = tpu.memref_squeeze %dma_start3A_621 : memref<1x!tpu.dma_semaphore, #tpu.memory_space<semaphore_mem>> -> memref<!tpu.dma_semaphore, #tpu.memory_space<semaphore_mem>>
      %dma_start3A_623 = arith.constant 0 : i32
      %dma_start3A_624 = tpu.memref_slice %arg4[%add3A_612, %dma_start3A_623] : memref<1638400x32xf32, #tpu.memory_space<hbm>> -> memref<1024x32xf32, #tpu.memory_space<hbm>>
      %dma_start3A_625 = arith.constant 0 : i32
      %dma_start3A_626 = arith.constant 0 : i32
      %dma_start3A_627 = tpu.memref_slice %arg6[%dma_start3A_613, %dma_start3A_625, %dma_start3A_626] : memref<2x1024x32xf32, #tpu.memory_space<vmem>> -> memref<1x1024x32xf32, #tpu.memory_space<vmem>>
      %dma_start3A_628 = tpu.memref_squeeze %dma_start3A_627 : memref<1x1024x32xf32, #tpu.memory_space<vmem>> -> memref<1024x32xf32, #tpu.memory_space<vmem>>
      tpu.enqueue_dma source(%dma_start3A_628 : memref<1024x32xf32, #tpu.memory_space<vmem>>) target(%dma_start3A_624 : memref<1024x32xf32, #tpu.memory_space<hbm>>) target_semaphore(%dma_start3A_622 : memref<!tpu.dma_semaphore, #tpu.memory_space<semaphore_mem>>)
      %add3A_629 = arith.constant 2 : i32
      %add3A_630 = arith.addi %add3A_442, %add3A_629 : i32
      %lt3A_631 = arith.constant 50 : i32
      %lt3A_632 = arith.cmpi slt, %add3A_630, %lt3A_631 : i32
      %convert_element_type3A_633 = arith.extui %lt3A_632 : i1 to i32
      %cond3A_634 = arith.constant 0 : i32
      %cond3A_635 = arith.cmpi ne, %convert_element_type3A_633, %cond3A_634 : i32
      scf.if %cond3A_635 {
        %add3A_636 = arith.constant 2 : i32
        %add3A_637 = arith.addi %add3A_442, %add3A_636 : i32
        %mul3A_638 = arith.constant 1024 : i32
        %mul3A_639 = arith.muli %add3A_637, %mul3A_638 : i32
        %add3A_640 = arith.addi %mul3A_2, %mul3A_639 : i32
        %dma_start3A_641 = arith.constant 1 : i32
        %dma_start3A_642 = arith.constant 1 : i32
        %dma_start3A_643 = arith.constant 0 : i32
        %dma_start3A_644 = tpu.memref_slice %arg5[%dma_start3A_641, %dma_start3A_643] : memref<2x1024xi32, #tpu.memory_space<vmem>> -> memref<1x1024xi32, #tpu.memory_space<vmem>>
        %dma_start3A_645 = tpu.memref_squeeze %dma_start3A_644 : memref<1x1024xi32, #tpu.memory_space<vmem>> -> memref<1024xi32, #tpu.memory_space<vmem>>
        %dma_start3A_646 = tpu.memref_slice %arg2[%add3A_640] : memref<1638400xi32, #tpu.memory_space<hbm>> -> memref<1024xi32, #tpu.memory_space<hbm>>
        %dma_start3A_647 = tpu.memref_slice %arg7[%dma_start3A_642] : memref<2x!tpu.dma_semaphore, #tpu.memory_space<semaphore_mem>> -> memref<1x!tpu.dma_semaphore, #tpu.memory_space<semaphore_mem>>
        %dma_start3A_648 = tpu.memref_squeeze %dma_start3A_647 : memref<1x!tpu.dma_semaphore, #tpu.memory_space<semaphore_mem>> -> memref<!tpu.dma_semaphore, #tpu.memory_space<semaphore_mem>>
        %dma_start3A_649 = arith.constant 0 : i32
        %dma_start3A_650 = tpu.memref_slice %arg5[%dma_start3A_641, %dma_start3A_649] : memref<2x1024xi32, #tpu.memory_space<vmem>> -> memref<1x1024xi32, #tpu.memory_space<vmem>>
        %dma_start3A_651 = tpu.memref_squeeze %dma_start3A_650 : memref<1x1024xi32, #tpu.memory_space<vmem>> -> memref<1024xi32, #tpu.memory_space<vmem>>
        %dma_start3A_652 = tpu.memref_slice %arg2[%add3A_640] : memref<1638400xi32, #tpu.memory_space<hbm>> -> memref<1024xi32, #tpu.memory_space<hbm>>
        tpu.enqueue_dma source(%dma_start3A_652 : memref<1024xi32, #tpu.memory_space<hbm>>) target(%dma_start3A_651 : memref<1024xi32, #tpu.memory_space<vmem>>) target_semaphore(%dma_start3A_648 : memref<!tpu.dma_semaphore, #tpu.memory_space<semaphore_mem>>)
      } else {
      }
    }
    %scan3A_207 = arith.constant 25 : i32
    %add3A_208 = arith.constant 49152 : i32
    %add3A_209 = arith.addi %mul3A_2, %add3A_208 : i32
    %dma_wait3A_210 = arith.constant 0 : i32
    %dma_wait3A_211 = arith.constant 0 : i32
    %dma_wait3A_212 = arith.constant 0 : i32
    %dma_wait3A_213 = arith.constant 0 : i32
    %dma_wait3A_214 = tpu.memref_slice %arg6[%dma_wait3A_210, %dma_wait3A_212, %dma_wait3A_213] : memref<2x1024x32xf32, #tpu.memory_space<vmem>> -> memref<1x1024x32xf32, #tpu.memory_space<vmem>>
    %dma_wait3A_215 = tpu.memref_squeeze %dma_wait3A_214 : memref<1x1024x32xf32, #tpu.memory_space<vmem>> -> memref<1024x32xf32, #tpu.memory_space<vmem>>
    %dma_wait3A_216 = arith.constant 0 : i32
    %dma_wait3A_217 = tpu.memref_slice %arg4[%add3A_209, %dma_wait3A_216] : memref<1638400x32xf32, #tpu.memory_space<hbm>> -> memref<1024x32xf32, #tpu.memory_space<hbm>>
    %dma_wait3A_218 = tpu.memref_slice %arg9[%dma_wait3A_211] : memref<2x!tpu.dma_semaphore, #tpu.memory_space<semaphore_mem>> -> memref<1x!tpu.dma_semaphore, #tpu.memory_space<semaphore_mem>>
    %dma_wait3A_219 = tpu.memref_squeeze %dma_wait3A_218 : memref<1x!tpu.dma_semaphore, #tpu.memory_space<semaphore_mem>> -> memref<!tpu.dma_semaphore, #tpu.memory_space<semaphore_mem>>
    %dma_wait3A_220 = arith.constant 0 : i32
    %dma_wait3A_221 = tpu.memref_slice %arg4[%add3A_209, %dma_wait3A_220] : memref<1638400x32xf32, #tpu.memory_space<hbm>> -> memref<1024x32xf32, #tpu.memory_space<hbm>>
    %dma_wait3A_222 = arith.constant 0 : i32
    %dma_wait3A_223 = arith.constant 0 : i32
    %dma_wait3A_224 = tpu.memref_slice %arg6[%dma_wait3A_210, %dma_wait3A_222, %dma_wait3A_223] : memref<2x1024x32xf32, #tpu.memory_space<vmem>> -> memref<1x1024x32xf32, #tpu.memory_space<vmem>>
    %dma_wait3A_225 = tpu.memref_squeeze %dma_wait3A_224 : memref<1x1024x32xf32, #tpu.memory_space<vmem>> -> memref<1024x32xf32, #tpu.memory_space<vmem>>
    tpu.wait_dma2 semaphore(%dma_wait3A_219 : memref<!tpu.dma_semaphore, #tpu.memory_space<semaphore_mem>>) src(%dma_wait3A_225 : memref<1024x32xf32, #tpu.memory_space<vmem>>) dst(%dma_wait3A_221 : memref<1024x32xf32, #tpu.memory_space<hbm>>)
    %add3A_226 = arith.constant 50176 : i32
    %add3A_227 = arith.addi %mul3A_2, %add3A_226 : i32
    %dma_wait3A_228 = arith.constant 1 : i32
    %dma_wait3A_229 = arith.constant 1 : i32
    %dma_wait3A_230 = arith.constant 0 : i32
    %dma_wait3A_231 = arith.constant 0 : i32
    %dma_wait3A_232 = tpu.memref_slice %arg6[%dma_wait3A_228, %dma_wait3A_230, %dma_wait3A_231] : memref<2x1024x32xf32, #tpu.memory_space<vmem>> -> memref<1x1024x32xf32, #tpu.memory_space<vmem>>
    %dma_wait3A_233 = tpu.memref_squeeze %dma_wait3A_232 : memref<1x1024x32xf32, #tpu.memory_space<vmem>> -> memref<1024x32xf32, #tpu.memory_space<vmem>>
    %dma_wait3A_234 = arith.constant 0 : i32
    %dma_wait3A_235 = tpu.memref_slice %arg4[%add3A_227, %dma_wait3A_234] : memref<1638400x32xf32, #tpu.memory_space<hbm>> -> memref<1024x32xf32, #tpu.memory_space<hbm>>
    %dma_wait3A_236 = tpu.memref_slice %arg9[%dma_wait3A_229] : memref<2x!tpu.dma_semaphore, #tpu.memory_space<semaphore_mem>> -> memref<1x!tpu.dma_semaphore, #tpu.memory_space<semaphore_mem>>
    %dma_wait3A_237 = tpu.memref_squeeze %dma_wait3A_236 : memref<1x!tpu.dma_semaphore, #tpu.memory_space<semaphore_mem>> -> memref<!tpu.dma_semaphore, #tpu.memory_space<semaphore_mem>>
    %dma_wait3A_238 = arith.constant 0 : i32
    %dma_wait3A_239 = tpu.memref_slice %arg4[%add3A_227, %dma_wait3A_238] : memref<1638400x32xf32, #tpu.memory_space<hbm>> -> memref<1024x32xf32, #tpu.memory_space<hbm>>
    %dma_wait3A_240 = arith.constant 0 : i32
    %dma_wait3A_241 = arith.constant 0 : i32
    %dma_wait3A_242 = tpu.memref_slice %arg6[%dma_wait3A_228, %dma_wait3A_240, %dma_wait3A_241] : memref<2x1024x32xf32, #tpu.memory_space<vmem>> -> memref<1x1024x32xf32, #tpu.memory_space<vmem>>
    %dma_wait3A_243 = tpu.memref_squeeze %dma_wait3A_242 : memref<1x1024x32xf32, #tpu.memory_space<vmem>> -> memref<1024x32xf32, #tpu.memory_space<vmem>>
    tpu.wait_dma2 semaphore(%dma_wait3A_237 : memref<!tpu.dma_semaphore, #tpu.memory_space<semaphore_mem>>) src(%dma_wait3A_243 : memref<1024x32xf32, #tpu.memory_space<vmem>>) dst(%dma_wait3A_239 : memref<1024x32xf32, #tpu.memory_space<hbm>>)
    return
  }
}

</mosaic_0001>

<sc_bundles>
// kernel: _embedding_gather.3.cloned.1.call-start
scs
__scs_entry_jumppad:
0x0: {  	(pc) =	sbr.rel $0x88, $3  }
0x1: {  	(tag) =	ssettag $0x0;
	lr =	simm.s32 $0x1  }
0x2: {  	[smem:$0x3F9F] =	sst lr;
	_ =	strace $0xD0000000  }
0x3: {  	_ = 	snop  }
0x4: {  	_ = 	snop  }
0x5: {  	_ = 	snop  }
0x6: {  	_ = 	snop  }
0x7: {  	_ = 	snop  }
__scs_overlays_trampoline_lowered:
0x8: {  	[smem:$0x3FAE] =	sst s0  }
0x9: {  	[smem:$0x3FAF] =	sst s1  }
0xa: {  	[smem:$0x3FB0] =	sst s2  }
0xb: {  	[smem:$0x3FB1] =	sst s3  }
0xc: {  	[smem:$0x3FB2] =	sst s4  }
0xd: {  	[smem:$0x3FB3] =	sst s5  }
0xe: {  	[smem:$0x3FB4] =	sst s6  }
0xf: {  	[smem:$0x3FB5] =	sst s7  }
0x10: {  	[smem:$0x3FB6] =	sst s8  }
0x11: {  	[smem:$0x3FB7] =	sst s9;
	s0 =	simm.s32 @!p0 $0x0  }
0x12: {  	s1 =	sld [smem:$0x3F9D];
	s0 =	simm.s32 @p0 $0x1  }
0x13: {  	[smem:$0x3FB8] =	sst s0;
	s0 =	simm.s32 @!p1 $0x0  }
0x14: {  	s2 =	sld [smem:$0x3F9C];
	s0 =	simm.s32 @p1 $0x1  }
0x15: {  	[smem:$0x3FB9] =	sst s0;
	s0 =	simm.s32 @!p2 $0x0  }
0x16: {  	s3 =	sld [smem:$0x3FDB];
	s0 =	simm.s32 @p2 $0x1  }
0x17: {  	s4 =	simm.s32 $0x1BF5;
	[smem:$0x3FBB] =	sst s0  }
0x18: {  	s0 =	sld [smem:$0x3F9E];
	_ =	swait.ge [sflag:s4], $0x0  }
0x19: {  	s7 =	sld [smem:$0x3F9F]  }
0x1a: {  	s8 =	sadd.s32 $0xFFFFE003, lr  }
0x1b: {  	s9 =	sadd.s32 $0xFFFFFEF7, lr;
	s5 =	simm.s32 $0xFFFFFFFF;
	p2 =	slt.u32 s8, $0xFFFFF086  }
0x1c: {  	p1 =	slt.u32 s9, $0xF7A;
	s5 =	simm.s32 @!p2 $0x0  }
0x1d: {  	s5 =	simm.s32 @p1 $0x1;
	p0 =	seq.s32 s7, s2  }
0x1e: {  	s7 =	smul.u32 @!p0 $0xF7A, s2;
	p2 =	seq.s32 @!p0 s5, $0x0  }
0x1f: {  	s9 =	smul.u32 $0xF7A, s1;
	s8 =	simm.s32 @!p0 $0x1BF5;
	p2 =	por !p2, p0  }
0x20: {  	[sflag:s8] =	ssyncset.s32 @!p0 $0xFFFFF086;
	s6 =	sadd.s32 @!p0 s3, s7;
	s7 =	simm.s32 @!p0 $0x108  }
0x21: {  	s3 =	sadd.s32 s3, s9;
	s6 =	sadd.s32 @!p0 $0x88, s6;
	s7 =	simm.s32 @p2 $0x1082  }
0x22: {  	[simem:s7], [sflag:s8] =	dma.local @!p0 [hbm:s6], $0xF7A  }
0x23: {  	s9 =	sor.u32 $0xD0000000, s2;
	s6 =	simm.s32 $0x108;
	_ =	swait.ge @!p0 [sflag:s8], $0x0  }
0x24: {  	s3 =	sadd.s32 $0x88, s3;
	s6 =	simm.s32 @!p1 $0x1082;
	[sflag:s4] =	ssyncset.s32 $0xFFFFF086  }
0x25: {  	[simem:s6], [sflag:s4] =	dma.local [hbm:s3], $0xF7A  }
0x26: {  	[smem:$0x3F9F] =	sst s1;
	(tag) =	ssettag s2;
	_ =	strace s9  }
0x27: {  	s1 =	sld [smem:$0x3FAF]  }
0x28: {  	s2 =	sld [smem:$0x3FB0]  }
0x29: {  	s4 =	sld [smem:$0x3FB2]  }
0x2a: {  	p0 =	seq.s32 s5, $0x0;
	s5 =	sld [smem:$0x3FB3]  }
0x2b: {  	s6 =	sld [smem:$0x3FB4]  }
0x2c: {  	s7 =	sld [smem:$0x3FB5]  }
0x2d: {  	s3 =	simm.s32 $0x108;
	s8 =	sld [smem:$0x3FB6]  }
0x2e: {  	s3 =	simm.s32 @!p0 $0x1082;
	s9 =	sld [smem:$0x3FB7]  }
0x2f: {  	lr =	sadd.s32 s0, s3;
	s0 =	sld [smem:$0x3FAE]  }
0x30: {  	s3 =	sld [smem:$0x3FB1]  }
0x31: {  	[smem:$0x3FBA] =	sst s10  }
0x32: {  	s10 =	sld [smem:$0x3FB8];
	_ =	sdelay $0x3  }
0x33: {  	p0 =	seq.s32 s10, $0x1;
	s10 =	sld [smem:$0x3FBA];
	_ =	sdelay $0x3  }
0x34: {  	[smem:$0x3FBA] =	sst s10  }
0x35: {  	s10 =	sld [smem:$0x3FB9];
	_ =	sdelay $0x3  }
0x36: {  	p1 =	seq.s32 s10, $0x1;
	s10 =	sld [smem:$0x3FBA];
	_ =	sdelay $0x3  }
0x37: {  	[smem:$0x3FBA] =	sst s10  }
0x38: {  	s10 =	sld [smem:$0x3FBB]  }
0x39: {  	_ = 	snop;
	(pc) =	sbr.ind lr, $3  }
0x3a: {  	_ = 	snop  }
0x3b: {  	_ = 	snop  }
0x3c: {  	p2 =	seq.s32 s10, $0x1;
	s10 =	sld [smem:$0x3FBA]  }
0x3d: {  	_ =	shalt  }
0x3e: {  	_ =	shalt  }
0x3f: {  	_ =	shalt  }
0x40: {  	_ =	shalt  }
0x41: {  	_ =	shalt  }
0x42: {  	_ =	shalt  }
0x43: {  	_ =	shalt  }
0x44: {  	_ =	shalt  }
0x45: {  	_ =	shalt  }
0x46: {  	_ =	shalt  }
0x47: {  	_ =	shalt  }
0x48: {  	_ =	shalt  }
0x49: {  	_ =	shalt  }
0x4a: {  	_ =	shalt  }
0x4b: {  	_ =	shalt  }
0x4c: {  	_ =	shalt  }
0x4d: {  	_ =	shalt  }
0x4e: {  	_ =	shalt  }
0x4f: {  	_ =	shalt  }
0x50: {  	_ =	shalt  }
0x51: {  	_ =	shalt  }
0x52: {  	_ =	shalt  }
0x53: {  	_ =	shalt  }
0x54: {  	_ =	shalt  }
0x55: {  	_ =	shalt  }
0x56: {  	_ =	shalt  }
0x57: {  	_ =	shalt  }
0x58: {  	_ =	shalt  }
0x59: {  	_ =	shalt  }
0x5a: {  	_ =	shalt  }
0x5b: {  	_ =	shalt  }
0x5c: {  	_ =	shalt  }
0x5d: {  	_ =	shalt  }
0x5e: {  	_ =	shalt  }
0x5f: {  	_ =	shalt  }
0x60: {  	_ =	shalt  }
0x61: {  	_ =	shalt  }
0x62: {  	_ =	shalt  }
0x63: {  	_ =	shalt  }
0x64: {  	_ =	shalt  }
0x65: {  	_ =	shalt  }
0x66: {  	_ =	shalt  }
0x67: {  	_ =	shalt  }
0x68: {  	_ =	shalt  }
0x69: {  	_ =	shalt  }
0x6a: {  	_ =	shalt  }
0x6b: {  	_ =	shalt  }
0x6c: {  	_ =	shalt  }
0x6d: {  	_ =	shalt  }
0x6e: {  	_ =	shalt  }
0x6f: {  	_ =	shalt  }
0x70: {  	_ =	shalt  }
0x71: {  	_ =	shalt  }
0x72: {  	_ =	shalt  }
0x73: {  	_ =	shalt  }
0x74: {  	_ =	shalt  }
0x75: {  	_ =	shalt  }
0x76: {  	_ =	shalt  }
0x77: {  	_ =	shalt  }
0x78: {  	_ =	shalt  }
0x79: {  	_ =	shalt  }
0x7a: {  	_ =	shalt  }
0x7b: {  	_ =	shalt  }
0x7c: {  	_ =	shalt  }
0x7d: {  	_ =	shalt  }
0x7e: {  	_ =	shalt  }
0x7f: {  	_ =	shalt  }
0x80: {  	_ =	shalt  }
0x81: {  	_ =	shalt  }
0x82: {  	_ =	shalt  }
0x83: {  	_ =	shalt  }
0x84: {  	_ =	shalt  }
0x85: {  	_ =	shalt  }
0x86: {  	_ =	shalt  }
0x87: {  	_ =	shalt  }
.Lfunc_end0:
.L_simem_size_0:
called_computation.1_lowered:
.L_overlay_start_0:
0x88: {  	s2 =	sld [smem:$0x3FD9]  }
0x89: {  	s3 =	sld [smem:$0x3FFE];
	_ =	sdelay $0x1  }
0x8a: {  	s1 =	srdreg.scid  }
0x8b: {  	s0 =	sand.u32 $0x1, s1  }
0x8c: {  	s17 =	sshll.u32 s0, $0xA;
	s2 =	sadd.s32 s3, s2  }
0x8d: {  	s2 =	sadd.s32 s2, s17  }
0x8e: {  	[smem:$0x3FC6] =	sst s2  }
0x8f: {  	_ = 	snop  }
0x90: {  	s2 =	sld [smem:$0x3FC9]  }
0x91: {  	s18 =	sld [smem:$0x3FD0];
	(tm) =	ssettm $0x1  }
0x92: {  	s4 =	sld [smem:$0x3FFB];
	_ =	sdelay $0x3  }
0x93: {  	_ =	strace s4  }
0x94: {  	s4 =	sld [smem:$0x3FFC];
	_ =	sdelay $0x3  }
0x95: {  	_ =	strace s4  }
0x96: {  	s4 =	sld [smem:$0x3FFD];
	_ =	sdelay $0x3  }
0x97: {  	_ =	strace s4  }
0x98: {  	_ =	strace $0x8FFFFFFF  }
0x99: {  	s19 =	sld [smem:$0x3FDB];
	_ =	sdelay $0x1  }
0x9a: {  	s5 =	simm.s32 $_scs_section_size  }
0x9b: {  	s6 =	simm.s32 $_size__tile_overlayer_lowered;
	s7 =	simm.s32 $_tile_overlayer_lowered  }
0x9c: {  	s22 =	simm.s32 $0x1BFF;
	s21 =	sshll.u32 s7, $0x1;
	s4 =	sadd.s32 s5, s19  }
0x9d: {  	s8 =	simm.s32 $0x0;
	s20 =	sshll.u32 s6, $0x1;
	s6 =	sadd.s32 s21, s4  }
0x9e: {  	[timem:s8], [sflag:s22] =	dma.local [hbm:s6], s20  }
0x9f: {  	_ =	swait.ge [sflag:s22], s20  }
0xa0: {  	s5 =	ssub.s32 $0x0, s20;
	[sflag:s22] =	ssyncset.done $0x0  }
0xa1: {  	[sflag:s22] =	ssyncadd.s32 s5;
	_ =	sdelay $0x1  }
0xa2: {  	s23 =	simm.s32 $0x1B8B  }
0xa3: {  	_ =	swait.ge [sflag:s23], $0x1  }
0xa4: {  	[sflag:s23] =	ssyncset.done $0x0  }
0xa5: {  	s25 =	simm.s32 $0x1B8E;
	s24 =	sld [smem:$0x3FFE];
	[sflag:s23] =	ssyncadd.s32 $0xFFFFFFFF  }
0xa6: {  	s26 =	simm.s32 $execute0_lowered;
	[smem:$0x3FD2] =	sst s25  }
0xa7: {  	s6 =	sshll.u32 s26, $0x1;
	_ =	strace $0x80000046;
	[dreg:$0x1] =	wrdreg $0xFFFFFFFF  }
0xa8: {  	s28 =	simm.s32 $_size_execute0_lowered;
	s4 =	sadd.s32 s4, s6;
	[dreg:$0x0] =	wrdreg $0x0  }
0xa9: {  	s6 =	sshll.u32 s28, $0x1;
	[dreg:$0x2] =	wrdreg s4  }
0xaa: {  	[dreg:$0x3] =	wrdreg s6  }
0xab: {  	[dreg:$0x4] =	wrdreg $0xC0  }
0xac: {  	_ =	task [dreg:s8], $0x5FFFF  }
0xad: {  	[dreg:$0x1] =	wrdreg $0xFFFFFFFF  }
0xae: {  	[dreg:$0x0] =	wrdreg $0x60  }
0xaf: {  	[dreg:$0x2] =	wrdreg s2  }
0xb0: {  	[dreg:$0x3] =	wrdreg s24  }
0xb1: {  	[dreg:$0x4] =	wrdreg s18  }
0xb2: {  	[dreg:$0x5] =	wrdreg $0x9  }
0xb3: {  	_ =	task.clear_ibuf [dreg:s8], $0x6FFFF;
	_ =	strace $0x90000046  }
0xb4: {  	s29 =	simm.s32 $0x9;
	_ =	strace $0x80000048  }
0xb5: {  	_ =	swait.ge [sflag:s29], $0x1  }
0xb6: {  	[sflag:s29] =	ssyncadd.s32 $0xFFFFFFFF  }
0xb7: {  	_ =	strace $0x90000048  }
0xb8: {  	_ =	sfence  }
0xb9: {  	s30 =	sld [smem:$0x0];
	_ =	sdelay $0x2  }
0xba: {  	s31 =	sshll.u32 s1, $0xD;
	s1 =	sshrl.u32 s1, $0x2  }
0xbb: {  	s3 =	sand.u32 $0x4000, s31;
	s1 =	sadd.s32 s1, s30  }
0xbc: {  	s0 =	sor.u32 s3, s0;
	s1 =	sshll.u32 s1, $0x11  }
0xbd: {  	s0 =	sor.u32 s1, s0  }
0xbe: {  	s0 =	sadd.s32 $0x8F2B, s0  }
0xbf: {  	[sflag:s0] =	ssyncadd.remote.s32 $0x1  }
0xc0: {  	_ =	sfence.sel $0xFFFF  }
0xc1: {  	[dreg:$0x0] =	wrdreg $0xFFFFFFFF;
	(pc) =	sbr.abs _section_cstart, $3  }
0xc2: {  	[dreg:$0x1] =	wrdreg $0xFFFFFFFF  }
0xc3: {  	_ =	task.clear_ibuf [dreg:s8], $0x2FFFF;
	_ =	strace $0x9FFFFFFF  }
0xc4: {  	(tm) =	ssettm $0x7FFFFFFF  }
0xc5: {  	_ =	shalt  }
tec
execute0_lowered:
.L_overlay_start_1:
0x0: {  	(tag) =	ssettag $0x1  }
0x1: {  	s11 =	rddreg [dreg:$0x0]  }
0x2: {  	s0 =	srdreg.scid;
	s4 =	rddreg [dreg:$0x1]  }
0x3: {  	s1 =	stileid.u32;
	s5 =	rddreg [dreg:$0x2];
	s3 =	simm.s32 $0x0  }
0x4: {  	s12 =	simm.s32 $0x400;
	s14 =	simm.s32 $0x80;
	s15 =	simm.s32 $0x800  }
0x5: {  	s30 =	simm.s32 $0x2;
	s31 =	simm.s32 $0x8800;
	s16 =	simm.s32 $0x500  }
0x6: {  	s17 =	simm.s32 $0xA800;
	s18 =	simm.s32 $0x580;
	s19 =	simm.s32 $0xB800  }
0x7: {  	s20 =	simm.s32 $0x600;
	s21 =	simm.s32 $0xC800;
	s6 =	smul.u32 $0x320000, s1  }
0x8: {  	s28 =	simm.s32 $0xF800;
	s0 =	sand.u32 $0x1, s0;
	s9 =	smul.u32 $0x19000, s1  }
0x9: {  	s29 =	simm.s32 $0x3;
	s2 =	sshll.u32 s1, $0x1;
	s7 =	smul.u32 $0x190000, s0  }
0xa: {  	s2 =	sor.u32 s0, s2;
	s8 =	ssub.s32 $0x2, s0;
	s0 =	smul.u32 $0xC800, s0  }
0xb: {  	[smem:$0x7FF] =	sst s3;
	s2 =	smul.u32 $0xC800, s2;
	s10 =	sshrl.u32 s8, $0x1  }
0xc: {  	s4 =	sadd.s32 $0x800, s4;
	_ =	strace $0x80000047;
	s8 =	ssub.s32 s8, s10  }
0xd: {  	s23 =	sadd.s32 s7, s6;
	s0 =	sadd.s32 s0, s9;
	s2 =	sshrl.u32 s2, $0x3  }
0xe: {  	s24 =	smax.u32 s8, $0x1;
	s6 =	sor.u32 $0x8000, s23;
	s25 =	sadd.s32 $0xC00, s0  }
0xf: {  	s0 =	sadd.s32 $0x800, s0;
	s22 =	sadd.s32 s11, s2;
	[dreg:$0x6] =	wrdreg s24  }
0x10: {  	s6 =	sshrl.u32 s6, $0x3;
	s2 =	sshrl.u32 s23, $0x3;
	s7 =	sshrl.u32 s25, $0x3  }
0x11: {  	[dreg:$0x8] =	wrdreg s0;
	s0 =	simm.s32 $0x9800;
	s23 =	simm.s32 $0xD800  }
.Ltmp0:
0x12: {  	s24 =	simm.s32 $0x700;
	s25 =	simm.s32 $0xE800;
	(pc) =	sbr.rel .LBB2_1-.Ltmp0, $4  }
0x13: {  	[dreg:$0x4] =	wrdreg s22;
	s1 =	sadd.s32 $0x80, s22;
	s8 =	sadd.s32 s6, s5  }
0x14: {  	s9 =	sadd.s32 s2, s5;
	s26 =	sadd.s32 s7, s11;
	s2 =	simm.s32 $0x480  }
0x15: {  	s22 =	simm.s32 $0x680;
	s6 =	simm.s32 $0x4;
	[dreg:$0x5] =	wrdreg s1  }
0x16: {  	s7 =	simm.s32 $0x0;
	[dreg:$0x7] =	wrdreg s26;
	s26 =	simm.s32 $0x780  }
.LBB2_4:
0x17: {  	s1 =	simm.s32 $0x5  }
0x18: {  	_ =	swait.ge [sflag:s1], $0x8000  }
0x19: {  	[sflag:s1] =	ssyncset.done $0x0  }
0x1a: {  	s5 =	simm.s32 $0x6;
	[sflag:s1] =	ssyncadd.s32 $0xFFFF8000  }
0x1b: {  	_ =	swait.ge [sflag:s5], $0x8000  }
0x1c: {  	s7 =	rddreg [dreg:$0x9]  }
0x1d: {  	s13 =	rddreg [dreg:$0x6];
	s7 =	sadd.s32 $0x1, s7  }
0x1e: {  	p0 =	sne.s32 s7, s13  }
.Ltmp1:
0x1f: {  	_ = 	snop;
	(pc) =	sbr.rel @!p0 .LBB2_5-.Ltmp1, $3  }
0x20: {  	_ =	sdelay $0x1  }
0x21: {  	[sflag:s5] =	ssyncset.done $0x0  }
0x22: {  	[sflag:s5] =	ssyncadd.s32 $0xFFFF8000  }
.LBB2_1:
0x23: {  	[dreg:$0x9] =	wrdreg s7  }
0x24: {  	s1 =	rddreg [dreg:$0x4]  }
0x25: {  	[tilespmem:s3], [sflag:$0x1] =	stream.linear.gather [hbm4b:s1+s3], $0x400, $0x38;
	[tilespmem:$0x10800] =	vst v63  }
0x26: {  	s13 =	rddreg [dreg:$0x5];
	s5 =	simm.s32 $0x1  }
0x27: {  	[tilespmem:s12], [sflag:$0x2] =	stream.linear.gather [hbm4b:s13+s3], $0x400, $0x38;
	[tilespmem:$0x10800] =	vst v63  }
0x28: {  	_ =	swait.ge [sflag:s5], $0x400  }
0x29: {  	[sflag:s5] =	ssyncset.done $0x0  }
0x2a: {  	[sflag:s5] =	ssyncadd.s32 $0xFFFFFC00  }
0x2b: {  	[tilespmem:s15], [sflag:$0x3] =	stream.indirect.gather [hbm4b:s4+s14], $0x20, s3, s14, $0xb8;
	[tilespmem:$0x10800] =	vst v63  }
0x2c: {  	s7 =	simm.s32 $0x1800  }
0x2d: {  	[tilespmem:s7], [sflag:$0x3] =	stream.indirect.gather [hbm4b:s4+s14], $0x20, s14, s14, $0xb8;
	[tilespmem:$0x10800] =	vst v63  }
0x2e: {  	s10 =	simm.s32 $0x100;
	s5 =	simm.s32 $0x2800  }
0x2f: {  	[tilespmem:s5], [sflag:$0x3] =	stream.indirect.gather [hbm4b:s4+s14], $0x20, s10, s14, $0xb8;
	[tilespmem:$0x10800] =	vst v63  }
0x30: {  	s11 =	simm.s32 $0x180;
	s13 =	simm.s32 $0x3800  }
0x31: {  	[tilespmem:s13], [sflag:$0x3] =	stream.indirect.gather [hbm4b:s4+s14], $0x20, s11, s14, $0xb8;
	[tilespmem:$0x10800] =	vst v63  }
0x32: {  	s7 =	simm.s32 $0x200;
	s10 =	simm.s32 $0x4800  }
0x33: {  	[tilespmem:s10], [sflag:$0x3] =	stream.indirect.gather [hbm4b:s4+s14], $0x20, s7, s14, $0xb8;
	[tilespmem:$0x10800] =	vst v63  }
0x34: {  	s11 =	simm.s32 $0x280;
	s13 =	simm.s32 $0x5800  }
0x35: {  	[tilespmem:s13], [sflag:$0x3] =	stream.indirect.gather [hbm4b:s4+s14], $0x20, s11, s14, $0xb8;
	[tilespmem:$0x10800] =	vst v63  }
0x36: {  	s7 =	simm.s32 $0x300;
	s10 =	simm.s32 $0x6800  }
0x37: {  	[tilespmem:s10], [sflag:$0x3] =	stream.indirect.gather [hbm4b:s4+s14], $0x20, s7, s14, $0xb8;
	[tilespmem:$0x10800] =	vst v63  }
0x38: {  	s11 =	simm.s32 $0x380;
	s13 =	simm.s32 $0x7800  }
0x39: {  	[tilespmem:s13], [sflag:$0x3] =	stream.indirect.gather [hbm4b:s4+s14], $0x20, s11, s14, $0xb8;
	[tilespmem:$0x10800] =	vst v63  }
0x3a: {  	s11 =	rddreg [dreg:$0x8]  }
0x3b: {  	s7 =	simm.s32 $0x0;
	s13 =	rddreg [dreg:$0x7]  }
.LBB2_2:
0x3c: {  	_ =	swait.ge [sflag:s30], $0x400  }
0x3d: {  	p0 =	seq.s32 s7, $0x0;
	[sflag:s30] =	ssyncset.done $0x0  }
0x3e: {  	s5 =	simm.s32 @!p0 $0x6;
	[sflag:s30] =	ssyncadd.s32 $0xFFFFFC00  }
0x3f: {  	_ =	swait.ge @!p0 [sflag:s5], $0x8000  }
0x40: {  	[sflag:s5] =	ssyncset.done @!p0 $0x0  }
0x41: {  	[sflag:s5] =	ssyncadd.s32 @!p0 $0xFFFF8000  }
0x42: {  	[tilespmem:s31], [sflag:$0x4] =	stream.indirect.gather [hbm4b:s4+s14], $0x20, s12, s14, $0xb8;
	[tilespmem:$0x10800] =	vst v63  }
0x43: {  	_ = 	snop  }
0x44: {  	[tilespmem:s0], [sflag:$0x4] =	stream.indirect.gather [hbm4b:s4+s14], $0x20, s2, s14, $0xb8;
	[tilespmem:$0x10800] =	vst v63  }
0x45: {  	_ = 	snop  }
0x46: {  	[tilespmem:s17], [sflag:$0x4] =	stream.indirect.gather [hbm4b:s4+s14], $0x20, s16, s14, $0xb8;
	[tilespmem:$0x10800] =	vst v63  }
0x47: {  	_ = 	snop  }
0x48: {  	[tilespmem:s19], [sflag:$0x4] =	stream.indirect.gather [hbm4b:s4+s14], $0x20, s18, s14, $0xb8;
	[tilespmem:$0x10800] =	vst v63  }
0x49: {  	_ = 	snop  }
0x4a: {  	[tilespmem:s21], [sflag:$0x4] =	stream.indirect.gather [hbm4b:s4+s14], $0x20, s20, s14, $0xb8;
	[tilespmem:$0x10800] =	vst v63  }
0x4b: {  	_ = 	snop  }
0x4c: {  	[tilespmem:s23], [sflag:$0x4] =	stream.indirect.gather [hbm4b:s4+s14], $0x20, s22, s14, $0xb8;
	[tilespmem:$0x10800] =	vst v63  }
0x4d: {  	_ = 	snop  }
0x4e: {  	[tilespmem:s25], [sflag:$0x4] =	stream.indirect.gather [hbm4b:s4+s14], $0x20, s24, s14, $0xb8;
	[tilespmem:$0x10800] =	vst v63  }
0x4f: {  	_ = 	snop  }
0x50: {  	[tilespmem:s28], [sflag:$0x4] =	stream.indirect.gather [hbm4b:s4+s14], $0x20, s26, s14, $0xb8;
	[tilespmem:$0x10800] =	vst v63  }
0x51: {  	_ =	swait.ge [sflag:s29], $0x1000  }
0x52: {  	[sflag:s29] =	ssyncset.done $0x0  }
0x53: {  	[sflag:s29] =	ssyncadd.s32 $0xFFFFF000  }
0x54: {  	_ =	swait.ge [sflag:s29], $0x1000  }
0x55: {  	[sflag:s29] =	ssyncset.done $0x0  }
0x56: {  	[sflag:s29] =	ssyncadd.s32 $0xFFFFF000  }
0x57: {  	_ =	swait.ge [sflag:s29], $0x1000  }
0x58: {  	[sflag:s29] =	ssyncset.done $0x0  }
0x59: {  	[sflag:s29] =	ssyncadd.s32 $0xFFFFF000  }
0x5a: {  	_ =	swait.ge [sflag:s29], $0x1000  }
0x5b: {  	[sflag:s29] =	ssyncset.done $0x0  }
0x5c: {  	[sflag:s29] =	ssyncadd.s32 $0xFFFFF000  }
0x5d: {  	_ =	swait.ge [sflag:s29], $0x1000  }
0x5e: {  	[sflag:s29] =	ssyncset.done $0x0  }
0x5f: {  	[sflag:s29] =	ssyncadd.s32 $0xFFFFF000  }
0x60: {  	_ =	swait.ge [sflag:s29], $0x1000  }
0x61: {  	[sflag:s29] =	ssyncset.done $0x0  }
0x62: {  	[sflag:s29] =	ssyncadd.s32 $0xFFFFF000  }
0x63: {  	_ =	swait.ge [sflag:s29], $0x1000  }
0x64: {  	[sflag:s29] =	ssyncset.done $0x0  }
0x65: {  	[sflag:s29] =	ssyncadd.s32 $0xFFFFF000  }
0x66: {  	_ =	swait.ge [sflag:s29], $0x1000  }
0x67: {  	[sflag:s29] =	ssyncset.done $0x0  }
0x68: {  	s1 =	sadd.s32 s7, s9;
	p0 =	seq.s32 s7, $0x30000;
	[sflag:s29] =	ssyncadd.s32 $0xFFFFF000  }
0x69: {  	[hbm4b:s1+s3] =	stream.linear.scatter [tilespmem:s15], [sflag:$0x5], $0x8000, $0x38;
	[tilespmem:$0x10800] =	vst v63  }
0x6a: {  	s5 =	sshrl.u32 @!p0 s11, $0x3;
	s1 =	rddreg [dreg:$0x0]  }
0x6b: {  	s10 =	simm.s32 @!p0 $0x0;
	s5 =	sadd.s32 @!p0 s1, s5  }
0x6c: {  	[tilespmem:s10], [sflag:$0x1] =	stream.linear.gather @!p0 [hbm4b:s5+s10], $0x400, $0x38;
	[tilespmem:$0x10800] =	vst v63  }
0x6d: {  	s5 =	simm.s32 @!p0 $0x1  }
0x6e: {  	_ =	swait.ge @!p0 [sflag:s5], $0x400  }
0x6f: {  	[sflag:s5] =	ssyncset.done @!p0 $0x0  }
0x70: {  	[sflag:s5] =	ssyncadd.s32 @!p0 $0xFFFFFC00;
	s5 =	simm.s32 @!p0 $0x5  }
0x71: {  	_ =	swait.ge @!p0 [sflag:s5], $0x8000  }
0x72: {  	[sflag:s5] =	ssyncset.done @!p0 $0x0  }
0x73: {  	s1 =	simm.s32 @!p0 $0x800;
	[sflag:s5] =	ssyncadd.s32 @!p0 $0xFFFF8000;
	s5 =	simm.s32 @!p0 $0x80  }
0x74: {  	[tilespmem:s1], [sflag:$0x3] =	stream.indirect.gather @!p0 [hbm4b:s4+s5], $0x20, s10, s5, $0xb8;
	[tilespmem:$0x10800] =	vst v63  }
0x75: {  	s1 =	simm.s32 @!p0 $0x1800  }
0x76: {  	[tilespmem:s1], [sflag:$0x3] =	stream.indirect.gather @!p0 [hbm4b:s4+s5], $0x20, s5, s5, $0xb8;
	[tilespmem:$0x10800] =	vst v63  }
0x77: {  	s10 =	simm.s32 @!p0 $0x2800;
	s1 =	simm.s32 @!p0 $0x100  }
0x78: {  	[tilespmem:s10], [sflag:$0x3] =	stream.indirect.gather @!p0 [hbm4b:s4+s5], $0x20, s1, s5, $0xb8;
	[tilespmem:$0x10800] =	vst v63  }
0x79: {  	s1 =	simm.s32 @!p0 $0x180;
	s10 =	simm.s32 @!p0 $0x3800  }
0x7a: {  	[tilespmem:s10], [sflag:$0x3] =	stream.indirect.gather @!p0 [hbm4b:s4+s5], $0x20, s1, s5, $0xb8;
	[tilespmem:$0x10800] =	vst v63  }
0x7b: {  	s1 =	simm.s32 @!p0 $0x200;
	s10 =	simm.s32 @!p0 $0x4800  }
0x7c: {  	[tilespmem:s10], [sflag:$0x3] =	stream.indirect.gather @!p0 [hbm4b:s4+s5], $0x20, s1, s5, $0xb8;
	[tilespmem:$0x10800] =	vst v63  }
0x7d: {  	s1 =	simm.s32 @!p0 $0x280;
	s10 =	simm.s32 @!p0 $0x5800  }
0x7e: {  	[tilespmem:s10], [sflag:$0x3] =	stream.indirect.gather @!p0 [hbm4b:s4+s5], $0x20, s1, s5, $0xb8;
	[tilespmem:$0x10800] =	vst v63  }
0x7f: {  	s1 =	simm.s32 @!p0 $0x300;
	s10 =	simm.s32 @!p0 $0x6800  }
0x80: {  	[tilespmem:s10], [sflag:$0x3] =	stream.indirect.gather @!p0 [hbm4b:s4+s5], $0x20, s1, s5, $0xb8;
	[tilespmem:$0x10800] =	vst v63  }
0x81: {  	s1 =	simm.s32 @!p0 $0x380;
	s10 =	simm.s32 @!p0 $0x7800  }
0x82: {  	[tilespmem:s10], [sflag:$0x3] =	stream.indirect.gather @!p0 [hbm4b:s4+s5], $0x20, s1, s5, $0xb8;
	[tilespmem:$0x10800] =	vst v63  }
0x83: {  	_ =	swait.ge [sflag:s6], $0x1000  }
0x84: {  	[sflag:s6] =	ssyncset.done $0x0  }
0x85: {  	[sflag:s6] =	ssyncadd.s32 $0xFFFFF000  }
0x86: {  	_ =	swait.ge [sflag:s6], $0x1000  }
0x87: {  	[sflag:s6] =	ssyncset.done $0x0  }
0x88: {  	[sflag:s6] =	ssyncadd.s32 $0xFFFFF000  }
0x89: {  	_ =	swait.ge [sflag:s6], $0x1000  }
0x8a: {  	[sflag:s6] =	ssyncset.done $0x0  }
0x8b: {  	[sflag:s6] =	ssyncadd.s32 $0xFFFFF000  }
0x8c: {  	_ =	swait.ge [sflag:s6], $0x1000  }
0x8d: {  	[sflag:s6] =	ssyncset.done $0x0  }
0x8e: {  	[sflag:s6] =	ssyncadd.s32 $0xFFFFF000  }
0x8f: {  	_ =	swait.ge [sflag:s6], $0x1000  }
0x90: {  	[sflag:s6] =	ssyncset.done $0x0  }
0x91: {  	[sflag:s6] =	ssyncadd.s32 $0xFFFFF000  }
0x92: {  	_ =	swait.ge [sflag:s6], $0x1000  }
0x93: {  	[sflag:s6] =	ssyncset.done $0x0  }
0x94: {  	[sflag:s6] =	ssyncadd.s32 $0xFFFFF000  }
0x95: {  	_ =	swait.ge [sflag:s6], $0x1000  }
0x96: {  	[sflag:s6] =	ssyncset.done $0x0  }
.Ltmp2:
0x97: {  	[sflag:s6] =	ssyncadd.s32 $0xFFFFF000;
	(pc) =	sbr.rel @p0 .LBB2_4-.Ltmp2, $4  }
0x98: {  	_ =	swait.ge [sflag:s6], $0x1000  }
0x99: {  	[sflag:s6] =	ssyncset.done $0x0  }
0x9a: {  	s10 =	sadd.s32 s7, s8;
	[sflag:s6] =	ssyncadd.s32 $0xFFFFF000  }
0x9b: {  	[hbm4b:s10+s3] =	stream.linear.scatter [tilespmem:s31], [sflag:$0x6], $0x8000, $0x38;
	[tilespmem:$0x10800] =	vst v63  }
.Ltmp3:
0x9c: {  	(pc) =	sbr.rel .LBB2_2-.Ltmp3, $3  }
0x9d: {  	_ =	sdelay $0x1  }
0x9e: {  	[tilespmem:s12], [sflag:$0x2] =	stream.linear.gather [hbm4b:s13+s3], $0x400, $0x38;
	[tilespmem:$0x10800] =	vst v63  }
0x9f: {  	s7 =	sadd.s32 $0x2000, s7;
	s13 =	sadd.s32 $0x100, s13;
	s11 =	sadd.s32 $0x800, s11  }
.LBB2_5:
0xa0: {  	_ =	sfence.sel $0x180000  }
0xa1: {  	[bflag:$0x0] =	sbarrier.arrive $0xFFFF  }
0xa2: {  	_ =	strace $0x90000047  }
0xa3: {  	s0 =	stileid.u32;
	[bflag:$0x2] =	sbarrier.arrive $0xFFFF  }
0xa4: {  	p0 =	sne.s32 s0, $0x0;
	s0 =	rddreg [dreg:$0x3]  }
0xa5: {  	s0 =	sadd.s32 @!p0 $0x100000, s0  }
0xa6: {  	[sflag:s0] =	ssyncadd.tile.s32 @!p0 $0x1;
	_ =	shalt  }
.Lfunc_end2:
_tile_overlayer_lowered:
.L_overlay_start_2:
0xa7: {  	(tag) =	ssettag $0x2  }
0xa8: {  	s0 =	rddreg [dreg:$0x0];
	s2 =	stileid.u32  }
0xa9: {  	s1 =	rddreg [dreg:$0x1];
	p0 =	sne.s32 s2, $0x0  }
0xaa: {  	s3 =	rddreg [dreg:$0x2];
	[bflag:$0x3] =	sbarrier.arrive $0xFFFF;
	s2 =	simm.s32 @!p0 $0x1C07  }
0xab: {  	[timem:s3], [sflag:s2] =	dma.local @!p0 [hbm:s0], s1  }
0xac: {  	s0 =	simm.s32 @!p0 $0x7  }
0xad: {  	_ =	swait.ge @!p0 [sflag:s0], s1  }
0xae: {  	s1 =	ssub.s32 @!p0 $0x0, s1;
	[sflag:s0] =	ssyncset.done @!p0 $0x0  }
0xaf: {  	[sflag:s0] =	ssyncadd.s32 @!p0 s1  }
0xb0: {  	[bflag:$0x3] =	sbarrier.arrive $0xFFFF  }
0xb1: {  	_ =	shalt  }

// kernel: sparse-core-data-format-call.cloned.1.call-start
scs
called_computation_lowered:
.L_overlay_start_0:
0x0: {  	s2 =	sld [smem:$0x3FD9]  }
0x1: {  	s3 =	sld [smem:$0x3FFE];
	_ =	sdelay $0x1  }
0x2: {  	s1 =	srdreg.scid  }
0x3: {  	s0 =	sand.u32 $0x1, s1  }
0x4: {  	s18 =	sshll.u32 s0, $0xA;
	s2 =	sadd.s32 s3, s2  }
0x5: {  	s2 =	sadd.s32 s2, s18  }
0x6: {  	[smem:$0x3FC6] =	sst s2  }
0x7: {  	_ = 	snop  }
0x8: {  	s2 =	sld [smem:$0x3FD0];
	(tm) =	ssettm $0x1  }
0x9: {  	s19 =	sld [smem:$0x3FFB];
	_ =	sdelay $0x3  }
0xa: {  	_ =	strace s19  }
0xb: {  	s3 =	sld [smem:$0x3FFC];
	_ =	sdelay $0x3  }
0xc: {  	_ =	strace s3  }
0xd: {  	s3 =	sld [smem:$0x3FFD];
	_ =	sdelay $0x3  }
0xe: {  	_ =	strace s3  }
0xf: {  	_ =	strace $0x8FFFFFFF  }
0x10: {  	s20 =	sld [smem:$0x3FDB];
	_ =	sdelay $0x1  }
0x11: {  	s4 =	simm.s32 $_scs_section_size  }
0x12: {  	s5 =	simm.s32 $_size__tile_overlayer_lowered;
	s6 =	simm.s32 $_tile_overlayer_lowered  }
0x13: {  	s23 =	simm.s32 $0x1BFF;
	s22 =	sshll.u32 s6, $0x1;
	s3 =	sadd.s32 s4, s20  }
0x14: {  	s7 =	simm.s32 $0x0;
	s21 =	sshll.u32 s5, $0x1;
	s5 =	sadd.s32 s22, s3  }
0x15: {  	[timem:s7], [sflag:s23] =	dma.local [hbm:s5], s21  }
0x16: {  	_ =	swait.ge [sflag:s23], s21  }
0x17: {  	s4 =	ssub.s32 $0x0, s21;
	[sflag:s23] =	ssyncset.done $0x0  }
0x18: {  	[sflag:s23] =	ssyncadd.s32 s4;
	_ =	sdelay $0x1  }
0x19: {  	s24 =	simm.s32 $0x1B8B  }
0x1a: {  	_ =	swait.ge [sflag:s24], $0x1  }
0x1b: {  	[sflag:s24] =	ssyncset.done $0x0  }
0x1c: {  	s26 =	simm.s32 $0x1B8E;
	s25 =	sld [smem:$0x3FFE];
	[sflag:s24] =	ssyncadd.s32 $0xFFFFFFFF  }
0x1d: {  	s27 =	simm.s32 $execute0_lowered;
	[smem:$0x3FD2] =	sst s26  }
0x1e: {  	s5 =	sshll.u32 s27, $0x1;
	_ =	strace $0x80000049;
	[dreg:$0x1] =	wrdreg $0xFFFFFFFF  }
0x1f: {  	s28 =	simm.s32 $_size_execute0_lowered;
	s3 =	sadd.s32 s3, s5;
	[dreg:$0x0] =	wrdreg $0x0  }
0x20: {  	s5 =	sshll.u32 s28, $0x1;
	[dreg:$0x2] =	wrdreg s3  }
0x21: {  	[dreg:$0x3] =	wrdreg s5  }
0x22: {  	[dreg:$0x4] =	wrdreg $0xC0  }
0x23: {  	_ =	task [dreg:s7], $0x5FFFF  }
0x24: {  	[dreg:$0x1] =	wrdreg $0xFFFFFFFF  }
0x25: {  	[dreg:$0x0] =	wrdreg $0x60  }
0x26: {  	[dreg:$0x2] =	wrdreg s25  }
0x27: {  	[dreg:$0x3] =	wrdreg s2  }
0x28: {  	[dreg:$0x4] =	wrdreg $0x9  }
0x29: {  	_ =	task.clear_ibuf [dreg:s7], $0x5FFFF;
	_ =	strace $0x90000049  }
0x2a: {  	s29 =	simm.s32 $0x9;
	_ =	strace $0x8000004B  }
0x2b: {  	_ =	swait.ge [sflag:s29], $0x1  }
0x2c: {  	[sflag:s29] =	ssyncadd.s32 $0xFFFFFFFF  }
0x2d: {  	_ =	strace $0x9000004B  }
0x2e: {  	_ =	sfence  }
0x2f: {  	s30 =	sld [smem:$0x0];
	_ =	sdelay $0x2  }
0x30: {  	s31 =	sshll.u32 s1, $0xD;
	s1 =	sshrl.u32 s1, $0x2  }
0x31: {  	s3 =	sand.u32 $0x4000, s31;
	s1 =	sadd.s32 s1, s30  }
0x32: {  	s0 =	sor.u32 s3, s0;
	s1 =	sshll.u32 s1, $0x11  }
0x33: {  	s0 =	sor.u32 s1, s0  }
0x34: {  	s0 =	sadd.s32 $0x8F2B, s0  }
0x35: {  	[sflag:s0] =	ssyncadd.remote.s32 $0x1  }
0x36: {  	_ =	sfence.sel $0xFFFF  }
0x37: {  	[dreg:$0x0] =	wrdreg $0xFFFFFFFF;
	(pc) =	sbr.abs _section_cstart, $3  }
0x38: {  	[dreg:$0x1] =	wrdreg $0xFFFFFFFF  }
0x39: {  	_ =	task.clear_ibuf [dreg:s7], $0x2FFFF;
	_ =	strace $0x9FFFFFFF  }
0x3a: {  	(tm) =	ssettm $0x7FFFFFFF  }
0x3b: {  	_ =	shalt  }
tec
execute0_lowered:
.L_overlay_start_1:
0x0: {  	(tag) =	ssettag $0x1  }
0x1: {  	s0 =	srdreg.scid  }
0x2: {  	s1 =	sshll.u32 s0, $0x4  }
0x3: {  	s4 =	rddreg [dreg:$0x0];
	s0 =	stileid.u32;
	s1 =	sand.u32 $0x10, s1  }
0x4: {  	s2 =	rddreg [dreg:$0x1];
	s7 =	simm.s32 $0x1;
	s1 =	sor.u32 s0, s1  }
0x5: {  	s8 =	simm.s32 $0x2;
	s11 =	simm.s32 $0x0;
	s3 =	sshll.u32 s1, $0x7  }
0x6: {  	s10 =	simm.s32 $0x0;
	s4 =	sadd.s32 $0x800, s4;
	s6 =	ssub.s32 $0x190000, s3  }
.Ltmp0:
0x7: {  	s1 =	rddreg [dreg:$0x2];
	s5 =	sand.u32 $0xF80, s6;
	(pc) =	sbr.rel .LBB1_1-.Ltmp0, $4  }
0x8: {  	_ =	strace $0x8000004A;
	s9 =	smov.u32 s3;
	p0 =	sne.s32 s5, $0x0  }
0x9: {  	s6 =	sshrl.u32 s6, $0xC;
	s5 =	simm.s32 $0x1;
	s7 =	simm.s32 @!p0 $0x0  }
0xa: {  	[sflag:s5] =	ssyncpa.u1 $0x0;
	p0 =	por $0x0, $0x0;
	s6 =	sadd.s32 s7, s6  }
0xb: {  	[sflag:s8] =	ssyncpa.u1 $0x0;
	s8 =	simm.s32 $0xC80000;
	s7 =	sadd.s32 $0x1, s6  }
.LBB1_4:
0xc: {  	s14 =	sshll.u32 s11, $0x3  }
0xd: {  	s30 =	sand.u32 $0x7F, s11;
	s15 =	sand.u32 $0xFFFFFC00, s14  }
0xe: {  	s11 =	sor.u32 s30, s15  }
0xf: {  	s15 =	smulhi.u32 $0x51EB851F, s11  }
0x10: {  	s14 =	smulhi.u32 $0x51EB851F, s14  }
0x11: {  	s15 =	sshrl.u32 s15, $0x13  }
0x12: {  	s14 =	sshrl.u32 s14, $0x13;
	s15 =	smul.u32 $0x190000, s15  }
0x13: {  	s14 =	sand.u32 $0x1F, s14  }
0x14: {  	s14 =	smul.u32 $0x32000, s14;
	s11 =	ssub.s32 s11, s15  }
0x15: {  	s15 =	sand.u32 $0x7, s11  }
0x16: {  	s14 =	sadd.s32 s2, s14;
	s11 =	sshrl.u32 s11, $0x3;
	s15 =	sshll.u32 s15, $0x12  }
0x17: {  	[tilespmem:s13+$0x0 ss:$0x81] =	vst.msk $0xffff, v0;
	s11 =	sadd.s32 s11, s14;
	s31 =	sor.u32 $0x400, s15  }
0x18: {  	[hbm4b:s11+s31] =	stream.strided.scatter [tilespmem:s12], [sflag:$0x2], $0x1000, s8, s31, $0x20;
	[tilespmem:$0x4040] =	vst v63  }
.LBB1_5:
0x19: {  	s13 =	sadd.s32 $0x1000, s9  }
0x1a: {  	p2 =	sgt.s32 s13, $0x18FFFF  }
0x1b: {  	s13 =	smov.u32 @p2 s3;
	p2 =	sne.s32 s10, s7  }
.Ltmp1:
0x1c: {  	p1 =	slt.u32 s10, $0x2;
	(pc) =	sbr.rel @!p2 .LBB1_6-.Ltmp1, $4  }
0x1d: {  	s12 =	simm.s32 @!p1 $0x2  }
0x1e: {  	s14 =	sadd.s32 $0x1, s10;
	_ =	swait.ge @!p1 [sflag:s12], $0x1000  }
0x1f: {  	s11 =	smov.u32 s9;
	p0 =	por !p0, !p0;
	[sflag:s12] =	ssyncset.done @!p1 $0x0  }
0x20: {  	s10 =	smov.u32 s14;
	s9 =	smov.u32 s13;
	[sflag:s12] =	ssyncadd.s32 @!p1 $0xFFFFF000  }
.LBB1_1:
0x21: {  	p1 =	sge.u32 s10, s6  }
0x22: {  	s12 =	sand.u32 @!p1 $0x1FFFFFF, s9  }
0x23: {  	s13 =	smulhi.u32 @!p1 $0x147AE15, s12;
	_ =	sdelay $0x1  }
0x24: {  	s13 =	sshrl.u32 @!p1 s13, $0xD  }
0x25: {  	s13 =	smul.u32 @!p1 $0x190000, s13;
	_ =	sdelay $0x1  }
0x26: {  	s31 =	sadd.s32 $0xFFFFFFFF, s10;
	s14 =	sxor.u32 @!p1 $0xFFFFFFFF, s10;
	s12 =	ssub.s32 @!p1 s12, s13  }
0x27: {  	s15 =	simm.s32 @!p1 $0x80;
	s14 =	sshll.u32 @!p1 s14, $0xC;
	s12 =	sshll.u32 @!p1 s12, $0x4  }
0x28: {  	s13 =	sand.u32 @!p1 $0x1000, s14;
	s14 =	simm.s32 @!p1 $0x20;
	s12 =	sadd.s32 @!p1 s4, s12  }
0x29: {  	[tilespmem:s13], [sflag:$0x1] =	stream.strided.gather @!p1 [hbm4b:s12+s14], $0x1000, s15, s14, $0x38;
	[tilespmem:$0x4040] =	vst v63  }
0x2a: {  	p1 =	sge.u32 s31, s6  }
.Ltmp2:
0x2b: {  	_ = 	snop;
	(pc) =	sbr.rel @p1 .LBB1_5-.Ltmp2, $1  }
0x2c: {  	_ =	sdelay $0x3  }
0x2d: {  	s12 =	simm.s32 $0x1  }
0x2e: {  	_ =	swait.ge [sflag:s5], $0x1000;
	s12 =	simm.s32 @!p0 $0x0  }
0x2f: {  	[sflag:s5] =	ssyncset.done $0x0;
	s13 =	sshll.u32 s12, $0xC  }
0x30: {  	[sflag:s5] =	ssyncadd.s32 $0xFFFFF000;
	s16 =	sor.u32 $0x10, s13  }
0x31: {  	s12 =	smul.u32 $0x4080, s12;
	v1 =	vld [tilespmem:s16+$0x0]  }
0x32: {  	s30 =	sand.u32 $0x1, s10;
	v0 =	vld [tilespmem:s16+$0xFFFFFFF0]  }
0x33: {  	s13 =	smul.u32 $0x4080, s30;
	s12 =	sshrl.u32 s12, $0x2  }
0x34: {  	s14 =	sor.u32 $0x2000, s12  }
0x35: {  	s31 =	sshrl.u32 s13, $0x2;
	s13 =	sadd.s32 $0x0, s14  }
0x36: {  	s15 =	simm.s32 $0x4;
	s16 =	sadd.s32 $0x20, s16;
	s12 =	sor.u32 $0x2000, s31;
	[tilespmem:s13+$0x810 ss:$0x81] =	vst.msk $0xffff, v1  }
.LBB1_3:
0x37: {  	v1 =	vld [tilespmem:s16+$0x0];
	p1 =	sne.s32 s15, $0x1FC;
	[tilespmem:s13+$0x0 ss:$0x81] =	vst.msk $0xffff, v0;
	s13 =	smov.u32 s15;
	s15 =	sadd.s32 $0x4, s15  }
.Ltmp3:
0x38: {  	v0 =	vld [tilespmem:s16+$0xFFFFFFF0];
	(pc) =	sbr.rel @p1 .LBB1_3-.Ltmp3, $4  }
0x39: {  	_ = 	snop  }
0x3a: {  	s13 =	sshra.s32 s13, $0x2  }
0x3b: {  	s13 =	sadd.s32 s13, s14  }
0x3c: {  	s16 =	sadd.s32 $0x20, s16;
	[tilespmem:s13+$0x810 ss:$0x81] =	vst.msk $0xffff, v1  }
.Ltmp4:
0x3d: {  	_ = 	snop;
	(pc) =	sbr.rel .LBB1_4-.Ltmp4, $1  }
0x3e: {  	_ =	sdelay $0x3  }
.LBB1_6:
0x3f: {  	_ =	sfence.sel $0x180000  }
0x40: {  	s2 =	simm.s32 $0x1;
	[bflag:$0x0] =	sbarrier.arrive $0xFFFF  }
0x41: {  	s31 =	simm.s32 $0x2;
	[sflag:s2] =	ssyncpa.u1 $0x1  }
0x42: {  	[sflag:s31] =	ssyncpa.u1 $0x1  }
0x43: {  	p0 =	sne.s32 s0, $0x0;
	_ =	strace $0x9000004A  }
0x44: {  	s0 =	sadd.s32 @!p0 $0x100000, s1;
	[bflag:$0x2] =	sbarrier.arrive $0xFFFF  }
0x45: {  	[sflag:s0] =	ssyncadd.tile.s32 @!p0 $0x1;
	_ =	shalt  }
.Lfunc_end1:
_tile_overlayer_lowered:
.L_overlay_start_2:
0x46: {  	(tag) =	ssettag $0x2  }
0x47: {  	s0 =	rddreg [dreg:$0x0];
	s2 =	stileid.u32  }
0x48: {  	s1 =	rddreg [dreg:$0x1];
	p0 =	sne.s32 s2, $0x0  }
0x49: {  	s3 =	rddreg [dreg:$0x2];
	[bflag:$0x3] =	sbarrier.arrive $0xFFFF;
	s2 =	simm.s32 @!p0 $0x1C01  }
0x4a: {  	[timem:s3], [sflag:s2] =	dma.local @!p0 [hbm:s0], s1  }
0x4b: {  	s0 =	simm.s32 @!p0 $0x1  }
0x4c: {  	_ =	swait.ge @!p0 [sflag:s0], s1  }
0x4d: {  	s1 =	ssub.s32 @!p0 $0x0, s1;
	[sflag:s0] =	ssyncset.done @!p0 $0x0  }
0x4e: {  	[sflag:s0] =	ssyncadd.s32 @!p0 s1  }
0x4f: {  	[bflag:$0x3] =	sbarrier.arrive $0xFFFF  }
0x50: {  	_ =	shalt  }

</sc_bundles>
